<compile_context>
chip_gen: v7x
topology: tpu7x:2x2x1
jax: 0.10.2.dev20260603
libtpu: 0.0.44.dev20260713+nightly
codegen_flags: <defaults>
</compile_context>

<pallas_src>
import functools

import jax
import jax.numpy as jnp
from jax import lax
from jax.experimental import pallas as pl
from jax.experimental.pallas import tpu as pltpu
from jax.experimental.pallas import tpu_sc as plsc

N = 10000
E = 320000
NFEAT = 128
NHID = 128

NPAD = 10240
NTILE = 16
NODES_PER_TILE = NPAD // NTILE
EROWS = E // 128
ROWS_BASE = EROWS // NTILE
ROWS_EXTRA = EROWS - ROWS_BASE * NTILE
ROWS_MAX = ROWS_BASE + 1
NVEC = NODES_PER_TILE // 16
LAG = 24

_TC_BLOCK = 2048
_TC_GRID = NPAD // _TC_BLOCK


def _tc_body(x_ref, xs_ref, we1_ref, we2_ref, wg_ref, wc_ref,
             be1_ref, be2_ref, bg_ref, bc_ref,
             v_ref, u_ref, cs_ref, cy_ref):
    we = we1_ref[...] @ we2_ref[...]
    wg = wg_ref[...] @ wc_ref[...]
    v_ref[...] = (x_ref[...] @ we)[:, 0]
    u_ref[...] = lax.dot_general(
        wg, xs_ref[...], dimension_numbers=(((0,), (0,)), ((), ())))[0]

    @pl.when(pl.program_id(0) == 0)
    def _():
        cs_ref[...] = be1_ref[...] @ we2_ref[...] + be2_ref[...]
        cy_ref[...] = bg_ref[...] @ wc_ref[...] + bc_ref[...]


def _tc_matvecs(x, xs, W_e1, W_e2, W_g, W_c, b_e1, b_e2, b_g, b_c):
    full = lambda shape: pl.BlockSpec(shape, lambda i: (0, 0))
    return pl.pallas_call(
        _tc_body,
        grid=(_TC_GRID,),
        in_specs=[
            pl.BlockSpec((_TC_BLOCK, NFEAT), lambda i: (i, 0)),
            pl.BlockSpec((NFEAT + 1, _TC_BLOCK), lambda i: (0, i)),
            full((NFEAT, NHID)),
            full((NHID, 1)),
            full((NFEAT + 1, NHID)),
            full((NHID, 1)),
            full((1, NHID)),
            full((1, 1)),
            full((1, NHID)),
            full((1, 1)),
        ],
        out_specs=[
            pl.BlockSpec((_TC_BLOCK,), lambda i: (i,)),
            pl.BlockSpec((_TC_BLOCK,), lambda i: (i,)),
            full((1, 1)),
            full((1, 1)),
        ],
        out_shape=[
            jax.ShapeDtypeStruct((NPAD,), jnp.float32),
            jax.ShapeDtypeStruct((NPAD,), jnp.float32),
            jax.ShapeDtypeStruct((1, 1), jnp.float32),
            jax.ShapeDtypeStruct((1, 1), jnp.float32),
        ],
    )(x, xs, W_e1, W_e2, W_g, W_c,
      b_e1.reshape(1, NHID), b_e2.reshape(1, 1),
      b_g.reshape(1, NHID), b_c.reshape(1, 1))


def _rsqrt_or_zero(d):
    x = jnp.maximum(1.0, d * 0.0625)
    for _ in range(10):
        x = 0.5 * (x + d / x)
    return jnp.where(d > 0.5, 1.0 / x, 0.0)


def _sc_body(e_hbm, v_hbm, u_hbm,
             s_hbm, y_hbm,
             sh_odeg, sh_ideg, sh_val, sh_acc,
             src_full, dst_full, val_local, msg,
             ones_row, nbuf_a, nbuf_b, ndst_buf, vu_buf, sem, sem2):
    cid = lax.axis_index("c")
    wid = lax.axis_index("s")
    sl = pl.ds(wid * NODES_PER_TILE, NODES_PER_TILE)
    row0 = wid * ROWS_BASE + jnp.minimum(wid, ROWS_EXTRA)
    nrows = ROWS_BASE + jnp.where(wid < ROWS_EXTRA, 1, 0)
    row0c = jnp.minimum(row0, EROWS - ROWS_MAX)
    off = row0 - row0c
    lo = off
    hi = off + nrows

    def _zero16(i, _):
        nbuf_a[pl.ds(i * 16, 16)] = jnp.zeros((16,), jnp.float32)
        return 0
    lax.fori_loop(0, NVEC, _zero16, 0)
    for c in range(8):
        ones_row[pl.ds(c * 16, 16)] = jnp.full((16,), 1.0, jnp.float32)

    pltpu.sync_copy(e_hbm.at[pl.ds(row0c, ROWS_MAX), 0], src_full)
    pltpu.sync_copy(e_hbm.at[pl.ds(row0c, ROWS_MAX), 1], dst_full)

    pltpu.sync_copy(nbuf_a, sh_odeg.at[sl])
    pltpu.sync_copy(nbuf_a, sh_ideg.at[sl])
    pltpu.sync_copy(nbuf_a, sh_acc.at[sl])
    plsc.subcore_barrier()

    def _deg_row(r, _):
        pltpu.async_copy(ones_row, sh_odeg.at[src_full.at[r]], sem, add=True)
        pltpu.async_copy(ones_row, sh_ideg.at[dst_full.at[r]], sem, add=True)

        @pl.when(r >= lo + LAG)
        def _():
            pltpu.make_async_copy(
                ones_row, sh_odeg.at[src_full.at[r - LAG]], sem).wait()
            pltpu.make_async_copy(
                ones_row, sh_ideg.at[dst_full.at[r - LAG]], sem).wait()
        return 0
    lax.fori_loop(lo, hi, _deg_row, 0)

    @pl.when(cid == 0)
    def _():
        pltpu.async_copy(v_hbm.at[sl], vu_buf, sem2)

    @pl.when(cid == 1)
    def _():
        pltpu.async_copy(u_hbm.at[sl], vu_buf, sem2)

    def _deg_drain(i, _):
        r = hi - LAG + i
        pltpu.make_async_copy(ones_row, sh_odeg.at[src_full.at[r]], sem).wait()
        pltpu.make_async_copy(ones_row, sh_ideg.at[dst_full.at[r]], sem).wait()
        return 0
    lax.fori_loop(0, LAG, _deg_drain, 0)
    plsc.subcore_barrier()

    pltpu.sync_copy(sh_odeg.at[sl], nbuf_a)

    def _nsrc16(i, _):
        ix = pl.ds(i * 16, 16)
        nbuf_a[ix] = _rsqrt_or_zero(nbuf_a[ix])
        return 0
    lax.fori_loop(0, NVEC, _nsrc16, 0)

    @pl.when(cid == 0)
    def _():
        pltpu.make_async_copy(v_hbm.at[sl], vu_buf, sem2).wait()

    @pl.when(cid == 1)
    def _():
        pltpu.make_async_copy(u_hbm.at[sl], vu_buf, sem2).wait()

    def _pv16(i, _):
        ix = pl.ds(i * 16, 16)
        nbuf_b[ix] = vu_buf[ix] * nbuf_a[ix]
        return 0
    lax.fori_loop(0, NVEC, _pv16, 0)
    pltpu.sync_copy(nbuf_b, sh_val.at[sl])

    pltpu.sync_copy(sh_ideg.at[sl], ndst_buf)

    def _ndst16(i, _):
        ix = pl.ds(i * 16, 16)
        ndst_buf[ix] = _rsqrt_or_zero(ndst_buf[ix])
        return 0
    lax.fori_loop(0, NVEC, _ndst16, 0)
    plsc.subcore_barrier()

    pltpu.sync_copy(sh_val, val_local)

    def _edge_row(r, _):
        for c in range(8):
            ix = pl.ds(c * 16, 16)
            idx = src_full[r, ix]
            msg[r, ix] = plsc.load_gather(val_local, [idx])
        pltpu.async_copy(msg.at[r], sh_acc.at[dst_full.at[r]], sem, add=True)

        @pl.when(r >= lo + LAG)
        def _():
            pltpu.make_async_copy(
                msg.at[r - LAG], sh_acc.at[dst_full.at[r - LAG]], sem).wait()
        return 0
    lax.fori_loop(lo, hi, _edge_row, 0)

    def _edge_drain(i, _):
        r = hi - LAG + i
        pltpu.make_async_copy(msg.at[r], sh_acc.at[dst_full.at[r]], sem).wait()
        return 0
    lax.fori_loop(0, LAG, _edge_drain, 0)
    plsc.subcore_barrier()

    pltpu.sync_copy(sh_acc.at[sl], nbuf_a)

    def _scale16(i, _):
        ix = pl.ds(i * 16, 16)
        nbuf_a[ix] = nbuf_a[ix] * ndst_buf[ix]
        return 0
    lax.fori_loop(0, NVEC, _scale16, 0)

    @pl.when(cid == 0)
    def _():
        pltpu.sync_copy(nbuf_a, s_hbm.at[sl])

    @pl.when(cid == 1)
    def _():
        pltpu.sync_copy(nbuf_a, y_hbm.at[sl])


_sc_graph = functools.partial(
    pl.kernel,
    out_type=[
        jax.ShapeDtypeStruct((NPAD,), jnp.float32),
        jax.ShapeDtypeStruct((NPAD,), jnp.float32),
    ],
    mesh=plsc.VectorSubcoreMesh(
        core_axis_name="c", subcore_axis_name="s", num_cores=2),
    compiler_params=pltpu.CompilerParams(
        needs_layout_passes=False, use_tc_tiling_on_sc=False),
    scratch_types=[
        pltpu.VMEM_SHARED((NPAD,), jnp.float32),
        pltpu.VMEM_SHARED((NPAD,), jnp.float32),
        pltpu.VMEM_SHARED((NPAD,), jnp.float32),
        pltpu.VMEM_SHARED((NPAD,), jnp.float32),
        pltpu.VMEM((ROWS_MAX, 128), jnp.int32),
        pltpu.VMEM((ROWS_MAX, 128), jnp.int32),
        pltpu.VMEM((NPAD,), jnp.float32),
        pltpu.VMEM((ROWS_MAX, 128), jnp.float32),
        pltpu.VMEM((128,), jnp.float32),
        pltpu.VMEM((NODES_PER_TILE,), jnp.float32),
        pltpu.VMEM((NODES_PER_TILE,), jnp.float32),
        pltpu.VMEM((NODES_PER_TILE,), jnp.float32),
        pltpu.VMEM((NODES_PER_TILE,), jnp.float32),
        pltpu.SemaphoreType.DMA,
        pltpu.SemaphoreType.DMA,
    ],
)(_sc_body)


@jax.jit
def kernel(x, x_sens, edge_index, W_e1, b_e1, W_e2, b_e2, W_g, b_g, W_c, b_c):
    v1d, u1d, cs, cy = _tc_matvecs(x, x_sens.T, W_e1, W_e2, W_g, W_c,
                                   b_e1, b_e2, b_g, b_c)

    e3d = edge_index.reshape(2, EROWS, 128).transpose(1, 0, 2)

    s_raw, y_raw = _sc_graph(e3d, v1d, u1d)

    s = (s_raw[:N] + cs[0, 0]).reshape(N, 1)
    y = (y_raw[:N] + cy[0, 0]).reshape(N, 1)
    return (y, s)

# --- scband reference (transcript-rebuilt; emitter-appended) ---
"""Pipeline reference for scband-fa-vgnn-10969346474306 (READ-ONLY COPY).

The authoritative reference and input builder live on the scoring server;
editing this copy changes nothing except your own understanding.
"""

import jax, jax.numpy as jnp
import numpy as np

N = 10000
E = 320000
NFEAT = 128
NHID = 128


def graph_conv(x, W, b, src, dst, n):
    # DGL-style GraphConv with norm='both': D_dst^{-1/2} A D_src^{-1/2} X W + b
    h = x @ W
    out_deg = jnp.zeros((n,), dtype=jnp.float32).at[src].add(1.0)
    in_deg = jnp.zeros((n,), dtype=jnp.float32).at[dst].add(1.0)
    norm_src = jnp.where(out_deg > 0, out_deg ** -0.5, 0.0)
    norm_dst = jnp.where(in_deg > 0, in_deg ** -0.5, 0.0)
    msg = h[src] * norm_src[src][:, None]
    agg = jnp.zeros((n, h.shape[1]), dtype=h.dtype).at[dst].add(msg)
    agg = agg * norm_dst[:, None]
    return agg + b


def setup_inputs(seed: int = 0) -> dict:
    key = jax.random.key(seed)
    ks = jax.random.split(key, 12)
    x = jax.random.normal(ks[0], (N, NFEAT), dtype=jnp.float32)
    x_sens = jax.random.normal(ks[1], (N, NFEAT + 1), dtype=jnp.float32)
    edge_index = jax.random.randint(ks[2], (2, E), 0, N, dtype=jnp.int32)
    # estimator: GCN(nfeat, hidden=128, nclass=1) = GraphConv(nfeat->128) + Linear(128->1)
    W_e1 = jax.random.normal(ks[3], (NFEAT, NHID), dtype=jnp.float32) * (1.0 / np.sqrt(NFEAT))
    b_e1 = jnp.zeros((NHID,), dtype=jnp.float32)
    W_e2 = jax.random.normal(ks[4], (NHID, 1), dtype=jnp.float32) * (1.0 / np.sqrt(NHID))
    b_e2 = jnp.zeros((1,), dtype=jnp.float32)
    # GNN body: GCN_Body(nfeat+1 -> num_hidden=128), single GraphConv (FairGNN-style)
    W_g = jax.random.normal(ks[5], (NFEAT + 1, NHID), dtype=jnp.float32) * (1.0 / np.sqrt(NFEAT + 1))
    b_g = jnp.zeros((NHID,), dtype=jnp.float32)
    # classifier: Linear(num_hidden -> 1)
    W_c = jax.random.normal(ks[6], (NHID, 1), dtype=jnp.float32) * (1.0 / np.sqrt(NHID))
    b_c = jnp.zeros((1,), dtype=jnp.float32)
    return {"x": x, "x_sens": x_sens, "edge_index": edge_index,
            "W_e1": W_e1, "b_e1": b_e1, "W_e2": W_e2, "b_e2": b_e2,
            "W_g": W_g, "b_g": b_g, "W_c": W_c, "b_c": b_c}


def reference(x, x_sens, edge_index, W_e1, b_e1, W_e2, b_e2, W_g, b_g, W_c, b_c):
    src = edge_index[0]
    dst = edge_index[1]
    # s = self.estimator(g, x): GraphConv then Linear
    h_est = graph_conv(x, W_e1, b_e1, src, dst, N)
    s = h_est @ W_e2 + b_e2
    # z = self.GNN(g, x_sens): GCN_Body single GraphConv
    z = graph_conv(x_sens, W_g, b_g, src, dst, N)
    # y = self.classifier(z)
    y = z @ W_c + b_c
    return (y, s)

if __name__ == "__main__":
    import jax
    _d = setup_inputs()
    print(jax.jit(kernel)(*tuple(_d.values())))

</pallas_src>

<mosaic_0001>
#map = affine_map<(d0, d1) -> (0, 0, 0)>
#map1 = affine_map<(d0, d1) -> (0)>
module attributes {stable_mosaic.version = 14 : i64} {
  func.func @_sc_body(%arg0: i32, %arg1: i32, %arg2: memref<2500x2x128xi32, #tpu.memory_space<hbm>>, %arg3: memref<10240xf32, #tpu.memory_space<hbm>>, %arg4: memref<10240xf32, #tpu.memory_space<hbm>>, %arg5: memref<10240xf32, #tpu.memory_space<hbm>>, %arg6: memref<10240xf32, #tpu.memory_space<hbm>>, %arg7: memref<10240xf32, #tpu.memory_space<vmem_shared>>, %arg8: memref<10240xf32, #tpu.memory_space<vmem_shared>>, %arg9: memref<10240xf32, #tpu.memory_space<vmem_shared>>, %arg10: memref<10240xf32, #tpu.memory_space<vmem_shared>>, %arg11: memref<157x128xi32, #tpu.memory_space<vmem>>, %arg12: memref<157x128xi32, #tpu.memory_space<vmem>>, %arg13: memref<10240xf32, #tpu.memory_space<vmem>>, %arg14: memref<157x128xf32, #tpu.memory_space<vmem>>, %arg15: memref<128xf32, #tpu.memory_space<vmem>>, %arg16: memref<640xf32, #tpu.memory_space<vmem>>, %arg17: memref<640xf32, #tpu.memory_space<vmem>>, %arg18: memref<640xf32, #tpu.memory_space<vmem>>, %arg19: memref<640xf32, #tpu.memory_space<vmem>>, %arg20: memref<!tpu.dma_semaphore, #tpu.memory_space<semaphore_mem>>, %arg21: memref<!tpu.dma_semaphore, #tpu.memory_space<semaphore_mem>>) attributes {dimension_semantics = [#tpu.dimension_semantics<core_parallel>, #tpu.dimension_semantics<subcore_parallel>], iteration_bounds = array<i64: 2, 16>, scalar_prefetch = 0 : i64, scratch_operands = 15 : i64, tpu.core_type = #tpu.core_type<sc_vector_subcore>, window_params = [{transform_indices = #map}, {transform_indices = #map1}, {transform_indices = #map1}, {transform_indices = #map1}, {transform_indices = #map1}]} {
    %mul3A = arith.constant 640 : i32
    %mul3A_0 = arith.muli %arg1, %mul3A : i32
    %mul3A_1 = arith.constant 156 : i32
    %mul3A_2 = arith.muli %arg1, %mul3A_1 : i32
    %min3A = arith.constant 4 : i32
    %min3A_3 = arith.minsi %arg1, %min3A : i32
    %add3A = arith.addi %mul3A_2, %min3A_3 : i32
    %lt3A = arith.constant 4 : i32
    %lt3A_4 = arith.cmpi slt, %arg1, %lt3A : i32
    %jit3A = arith.constant 1 : i32
    %jit3A_5 = arith.constant 0 : i32
    %select_n3A = arith.select %lt3A_4, %jit3A, %jit3A_5 : i32
    %add3A_6 = arith.constant 156 : i32
    %add3A_7 = arith.addi %add3A_6, %select_n3A : i32
    %min3A_8 = arith.constant 2343 : i32
    %min3A_9 = arith.minsi %add3A, %min3A_8 : i32
    %sub3A = arith.subi %add3A, %min3A_9 : i32
    %add3A_10 = arith.addi %sub3A, %add3A_7 : i32
    %scan3A = arith.constant 0 : i32
    %scan3A_11 = arith.constant 0 : i32
    %scan3A_12 = arith.constant 40 : i32
    %scan3A_13 = arith.addi %scan3A_11, %scan3A_12 : i32
    %scan3A_14 = arith.constant 1 : i32
    %scan3A_15 = scf.for %scan3A_141 = %scan3A_11 to %scan3A_13 step %scan3A_14 iter_args(%scan3A_142 = %scan3A) -> (i32)  : i32 {
      %broadcast_in_dim3A_143 = arith.constant 0.000000e+00 : f32
      %broadcast_in_dim3A_144 = vector.broadcast %broadcast_in_dim3A_143 : f32 to vector<16xf32>
      %mul3A_145 = arith.constant 16 : i32
      %mul3A_146 = arith.muli %scan3A_141, %mul3A_145 : i32
      %swap3A_147 = arith.index_cast %mul3A_146 : i32 to index
      %swap3A_148 = tpu.vector_load %arg16[%swap3A_147] {strides = array<i32>} : memref<640xf32, #tpu.memory_space<vmem>>, vector<16xf32>,
      tpu.vector_store %arg16[%swap3A_147], %broadcast_in_dim3A_144 {strides = array<i32>} : memref<640xf32, #tpu.memory_space<vmem>>, vector<16xf32>,
      %scan3A_149 = arith.constant 0 : i32
      scf.yield %scan3A_149 : i32
    }
    %scan3A_16 = arith.constant 40 : i32
    %broadcast_in_dim3A = arith.constant 1.000000e+00 : f32
    %broadcast_in_dim3A_17 = vector.broadcast %broadcast_in_dim3A : f32 to vector<16xf32>
    %swap3A = arith.constant 0 : index
    %swap3A_18 = tpu.vector_load %arg15[%swap3A] {strides = array<i32>} : memref<128xf32, #tpu.memory_space<vmem>>, vector<16xf32>,
    tpu.vector_store %arg15[%swap3A], %broadcast_in_dim3A_17 {strides = array<i32>} : memref<128xf32, #tpu.memory_space<vmem>>, vector<16xf32>,
    %broadcast_in_dim3A_19 = arith.constant 1.000000e+00 : f32
    %broadcast_in_dim3A_20 = vector.broadcast %broadcast_in_dim3A_19 : f32 to vector<16xf32>
    %swap3A_21 = arith.constant 16 : index
    %swap3A_22 = tpu.vector_load %arg15[%swap3A_21] {strides = array<i32>} : memref<128xf32, #tpu.memory_space<vmem>>, vector<16xf32>,
    tpu.vector_store %arg15[%swap3A_21], %broadcast_in_dim3A_20 {strides = array<i32>} : memref<128xf32, #tpu.memory_space<vmem>>, vector<16xf32>,
    %broadcast_in_dim3A_23 = arith.constant 1.000000e+00 : f32
    %broadcast_in_dim3A_24 = vector.broadcast %broadcast_in_dim3A_23 : f32 to vector<16xf32>
    %swap3A_25 = arith.constant 32 : index
    %swap3A_26 = tpu.vector_load %arg15[%swap3A_25] {strides = array<i32>} : memref<128xf32, #tpu.memory_space<vmem>>, vector<16xf32>,
    tpu.vector_store %arg15[%swap3A_25], %broadcast_in_dim3A_24 {strides = array<i32>} : memref<128xf32, #tpu.memory_space<vmem>>, vector<16xf32>,
    %broadcast_in_dim3A_27 = arith.constant 1.000000e+00 : f32
    %broadcast_in_dim3A_28 = vector.broadcast %broadcast_in_dim3A_27 : f32 to vector<16xf32>
    %swap3A_29 = arith.constant 48 : index
    %swap3A_30 = tpu.vector_load %arg15[%swap3A_29] {strides = array<i32>} : memref<128xf32, #tpu.memory_space<vmem>>, vector<16xf32>,
    tpu.vector_store %arg15[%swap3A_29], %broadcast_in_dim3A_28 {strides = array<i32>} : memref<128xf32, #tpu.memory_space<vmem>>, vector<16xf32>,
    %broadcast_in_dim3A_31 = arith.constant 1.000000e+00 : f32
    %broadcast_in_dim3A_32 = vector.broadcast %broadcast_in_dim3A_31 : f32 to vector<16xf32>
    %swap3A_33 = arith.constant 64 : index
    %swap3A_34 = tpu.vector_load %arg15[%swap3A_33] {strides = array<i32>} : memref<128xf32, #tpu.memory_space<vmem>>, vector<16xf32>,
    tpu.vector_store %arg15[%swap3A_33], %broadcast_in_dim3A_32 {strides = array<i32>} : memref<128xf32, #tpu.memory_space<vmem>>, vector<16xf32>,
    %broadcast_in_dim3A_35 = arith.constant 1.000000e+00 : f32
    %broadcast_in_dim3A_36 = vector.broadcast %broadcast_in_dim3A_35 : f32 to vector<16xf32>
    %swap3A_37 = arith.constant 80 : index
    %swap3A_38 = tpu.vector_load %arg15[%swap3A_37] {strides = array<i32>} : memref<128xf32, #tpu.memory_space<vmem>>, vector<16xf32>,
    tpu.vector_store %arg15[%swap3A_37], %broadcast_in_dim3A_36 {strides = array<i32>} : memref<128xf32, #tpu.memory_space<vmem>>, vector<16xf32>,
    %broadcast_in_dim3A_39 = arith.constant 1.000000e+00 : f32
    %broadcast_in_dim3A_40 = vector.broadcast %broadcast_in_dim3A_39 : f32 to vector<16xf32>
    %swap3A_41 = arith.constant 96 : index
    %swap3A_42 = tpu.vector_load %arg15[%swap3A_41] {strides = array<i32>} : memref<128xf32, #tpu.memory_space<vmem>>, vector<16xf32>,
    tpu.vector_store %arg15[%swap3A_41], %broadcast_in_dim3A_40 {strides = array<i32>} : memref<128xf32, #tpu.memory_space<vmem>>, vector<16xf32>,
    %broadcast_in_dim3A_43 = arith.constant 1.000000e+00 : f32
    %broadcast_in_dim3A_44 = vector.broadcast %broadcast_in_dim3A_43 : f32 to vector<16xf32>
    %swap3A_45 = arith.constant 112 : index
    %swap3A_46 = tpu.vector_load %arg15[%swap3A_45] {strides = array<i32>} : memref<128xf32, #tpu.memory_space<vmem>>, vector<16xf32>,
    tpu.vector_store %arg15[%swap3A_45], %broadcast_in_dim3A_44 {strides = array<i32>} : memref<128xf32, #tpu.memory_space<vmem>>, vector<16xf32>,
    %run_scoped3A = arith.constant 0 : i32
    "tpu.region"() ({
      %run_scoped3A_141 = tpu.sem_alloc : memref<!tpu.dma_semaphore, #tpu.memory_space<semaphore_mem>>
      %dma_start3A = arith.constant 0 : i32
      %dma_start3A_142 = tpu.memref_slice %arg2[%min3A_9, %run_scoped3A, %dma_start3A] : memref<2500x2x128xi32, #tpu.memory_space<hbm>> -> memref<157x1x128xi32, #tpu.memory_space<hbm>>
      %dma_start3A_143 = tpu.memref_squeeze %dma_start3A_142 : memref<157x1x128xi32, #tpu.memory_space<hbm>> -> memref<157x128xi32, #tpu.memory_space<hbm>>
      %dma_start3A_144 = arith.constant 0 : i32
      %dma_start3A_145 = tpu.memref_slice %arg2[%min3A_9, %run_scoped3A, %dma_start3A_144] : memref<2500x2x128xi32, #tpu.memory_space<hbm>> -> memref<157x1x128xi32, #tpu.memory_space<hbm>>
      %dma_start3A_146 = tpu.memref_squeeze %dma_start3A_145 : memref<157x1x128xi32, #tpu.memory_space<hbm>> -> memref<157x128xi32, #tpu.memory_space<hbm>>
      tpu.enqueue_dma source(%dma_start3A_146 : memref<157x128xi32, #tpu.memory_space<hbm>>) target(%arg11 : memref<157x128xi32, #tpu.memory_space<vmem>>) target_semaphore(%run_scoped3A_141 : memref<!tpu.dma_semaphore, #tpu.memory_space<semaphore_mem>>)
      %dma_wait3A = arith.constant 0 : i32
      %dma_wait3A_147 = tpu.memref_slice %arg2[%min3A_9, %run_scoped3A, %dma_wait3A] : memref<2500x2x128xi32, #tpu.memory_space<hbm>> -> memref<157x1x128xi32, #tpu.memory_space<hbm>>
      %dma_wait3A_148 = tpu.memref_squeeze %dma_wait3A_147 : memref<157x1x128xi32, #tpu.memory_space<hbm>> -> memref<157x128xi32, #tpu.memory_space<hbm>>
      %dma_wait3A_149 = arith.constant 0 : i32
      %dma_wait3A_150 = tpu.memref_slice %arg2[%min3A_9, %run_scoped3A, %dma_wait3A_149] : memref<2500x2x128xi32, #tpu.memory_space<hbm>> -> memref<157x1x128xi32, #tpu.memory_space<hbm>>
      %dma_wait3A_151 = tpu.memref_squeeze %dma_wait3A_150 : memref<157x1x128xi32, #tpu.memory_space<hbm>> -> memref<157x128xi32, #tpu.memory_space<hbm>>
      tpu.wait_dma2 semaphore(%run_scoped3A_141 : memref<!tpu.dma_semaphore, #tpu.memory_space<semaphore_mem>>) src(%dma_wait3A_151 : memref<157x128xi32, #tpu.memory_space<hbm>>) dst(%arg11 : memref<157x128xi32, #tpu.memory_space<vmem>>)
      tpu.yield
    }) : () -> ()
    %run_scoped3A_47 = arith.constant 1 : i32
    "tpu.region"() ({
      %run_scoped3A_141 = tpu.sem_alloc : memref<!tpu.dma_semaphore, #tpu.memory_space<semaphore_mem>>
      %dma_start3A = arith.constant 0 : i32
      %dma_start3A_142 = tpu.memref_slice %arg2[%min3A_9, %run_scoped3A_47, %dma_start3A] : memref<2500x2x128xi32, #tpu.memory_space<hbm>> -> memref<157x1x128xi32, #tpu.memory_space<hbm>>
      %dma_start3A_143 = tpu.memref_squeeze %dma_start3A_142 : memref<157x1x128xi32, #tpu.memory_space<hbm>> -> memref<157x128xi32, #tpu.memory_space<hbm>>
      %dma_start3A_144 = arith.constant 0 : i32
      %dma_start3A_145 = tpu.memref_slice %arg2[%min3A_9, %run_scoped3A_47, %dma_start3A_144] : memref<2500x2x128xi32, #tpu.memory_space<hbm>> -> memref<157x1x128xi32, #tpu.memory_space<hbm>>
      %dma_start3A_146 = tpu.memref_squeeze %dma_start3A_145 : memref<157x1x128xi32, #tpu.memory_space<hbm>> -> memref<157x128xi32, #tpu.memory_space<hbm>>
      tpu.enqueue_dma source(%dma_start3A_146 : memref<157x128xi32, #tpu.memory_space<hbm>>) target(%arg12 : memref<157x128xi32, #tpu.memory_space<vmem>>) target_semaphore(%run_scoped3A_141 : memref<!tpu.dma_semaphore, #tpu.memory_space<semaphore_mem>>)
      %dma_wait3A = arith.constant 0 : i32
      %dma_wait3A_147 = tpu.memref_slice %arg2[%min3A_9, %run_scoped3A_47, %dma_wait3A] : memref<2500x2x128xi32, #tpu.memory_space<hbm>> -> memref<157x1x128xi32, #tpu.memory_space<hbm>>
      %dma_wait3A_148 = tpu.memref_squeeze %dma_wait3A_147 : memref<157x1x128xi32, #tpu.memory_space<hbm>> -> memref<157x128xi32, #tpu.memory_space<hbm>>
      %dma_wait3A_149 = arith.constant 0 : i32
      %dma_wait3A_150 = tpu.memref_slice %arg2[%min3A_9, %run_scoped3A_47, %dma_wait3A_149] : memref<2500x2x128xi32, #tpu.memory_space<hbm>> -> memref<157x1x128xi32, #tpu.memory_space<hbm>>
      %dma_wait3A_151 = tpu.memref_squeeze %dma_wait3A_150 : memref<157x1x128xi32, #tpu.memory_space<hbm>> -> memref<157x128xi32, #tpu.memory_space<hbm>>
      tpu.wait_dma2 semaphore(%run_scoped3A_141 : memref<!tpu.dma_semaphore, #tpu.memory_space<semaphore_mem>>) src(%dma_wait3A_151 : memref<157x128xi32, #tpu.memory_space<hbm>>) dst(%arg12 : memref<157x128xi32, #tpu.memory_space<vmem>>)
      tpu.yield
    }) : () -> ()
    "tpu.region"() ({
      %run_scoped3A_141 = tpu.sem_alloc : memref<!tpu.dma_semaphore, #tpu.memory_space<semaphore_mem>>
      %dma_start3A = tpu.memref_slice %arg7[%mul3A_0] : memref<10240xf32, #tpu.memory_space<vmem_shared>> -> memref<640xf32, #tpu.memory_space<vmem_shared>>
      %dma_start3A_142 = tpu.memref_slice %arg7[%mul3A_0] : memref<10240xf32, #tpu.memory_space<vmem_shared>> -> memref<640xf32, #tpu.memory_space<vmem_shared>>
      tpu.enqueue_dma source(%arg16 : memref<640xf32, #tpu.memory_space<vmem>>) target(%dma_start3A_142 : memref<640xf32, #tpu.memory_space<vmem_shared>>) target_semaphore(%run_scoped3A_141 : memref<!tpu.dma_semaphore, #tpu.memory_space<semaphore_mem>>)
      %dma_wait3A = tpu.memref_slice %arg7[%mul3A_0] : memref<10240xf32, #tpu.memory_space<vmem_shared>> -> memref<640xf32, #tpu.memory_space<vmem_shared>>
      %dma_wait3A_143 = tpu.memref_slice %arg7[%mul3A_0] : memref<10240xf32, #tpu.memory_space<vmem_shared>> -> memref<640xf32, #tpu.memory_space<vmem_shared>>
      tpu.wait_dma2 semaphore(%run_scoped3A_141 : memref<!tpu.dma_semaphore, #tpu.memory_space<semaphore_mem>>) src(%arg16 : memref<640xf32, #tpu.memory_space<vmem>>) dst(%dma_wait3A_143 : memref<640xf32, #tpu.memory_space<vmem_shared>>)
      tpu.yield
    }) : () -> ()
    "tpu.region"() ({
      %run_scoped3A_141 = tpu.sem_alloc : memref<!tpu.dma_semaphore, #tpu.memory_space<semaphore_mem>>
      %dma_start3A = tpu.memref_slice %arg8[%mul3A_0] : memref<10240xf32, #tpu.memory_space<vmem_shared>> -> memref<640xf32, #tpu.memory_space<vmem_shared>>
      %dma_start3A_142 = tpu.memref_slice %arg8[%mul3A_0] : memref<10240xf32, #tpu.memory_space<vmem_shared>> -> memref<640xf32, #tpu.memory_space<vmem_shared>>
      tpu.enqueue_dma source(%arg16 : memref<640xf32, #tpu.memory_space<vmem>>) target(%dma_start3A_142 : memref<640xf32, #tpu.memory_space<vmem_shared>>) target_semaphore(%run_scoped3A_141 : memref<!tpu.dma_semaphore, #tpu.memory_space<semaphore_mem>>)
      %dma_wait3A = tpu.memref_slice %arg8[%mul3A_0] : memref<10240xf32, #tpu.memory_space<vmem_shared>> -> memref<640xf32, #tpu.memory_space<vmem_shared>>
      %dma_wait3A_143 = tpu.memref_slice %arg8[%mul3A_0] : memref<10240xf32, #tpu.memory_space<vmem_shared>> -> memref<640xf32, #tpu.memory_space<vmem_shared>>
      tpu.wait_dma2 semaphore(%run_scoped3A_141 : memref<!tpu.dma_semaphore, #tpu.memory_space<semaphore_mem>>) src(%arg16 : memref<640xf32, #tpu.memory_space<vmem>>) dst(%dma_wait3A_143 : memref<640xf32, #tpu.memory_space<vmem_shared>>)
      tpu.yield
    }) : () -> ()
    "tpu.region"() ({
      %run_scoped3A_141 = tpu.sem_alloc : memref<!tpu.dma_semaphore, #tpu.memory_space<semaphore_mem>>
      %dma_start3A = tpu.memref_slice %arg10[%mul3A_0] : memref<10240xf32, #tpu.memory_space<vmem_shared>> -> memref<640xf32, #tpu.memory_space<vmem_shared>>
      %dma_start3A_142 = tpu.memref_slice %arg10[%mul3A_0] : memref<10240xf32, #tpu.memory_space<vmem_shared>> -> memref<640xf32, #tpu.memory_space<vmem_shared>>
      tpu.enqueue_dma source(%arg16 : memref<640xf32, #tpu.memory_space<vmem>>) target(%dma_start3A_142 : memref<640xf32, #tpu.memory_space<vmem_shared>>) target_semaphore(%run_scoped3A_141 : memref<!tpu.dma_semaphore, #tpu.memory_space<semaphore_mem>>)
      %dma_wait3A = tpu.memref_slice %arg10[%mul3A_0] : memref<10240xf32, #tpu.memory_space<vmem_shared>> -> memref<640xf32, #tpu.memory_space<vmem_shared>>
      %dma_wait3A_143 = tpu.memref_slice %arg10[%mul3A_0] : memref<10240xf32, #tpu.memory_space<vmem_shared>> -> memref<640xf32, #tpu.memory_space<vmem_shared>>
      tpu.wait_dma2 semaphore(%run_scoped3A_141 : memref<!tpu.dma_semaphore, #tpu.memory_space<semaphore_mem>>) src(%arg16 : memref<640xf32, #tpu.memory_space<vmem>>) dst(%dma_wait3A_143 : memref<640xf32, #tpu.memory_space<vmem_shared>>)
      tpu.yield
    }) : () -> ()
    %barrier3A = arith.constant 0 : index
    tpu.barrier barrier_id(%barrier3A)
    %while3A = arith.constant 0 : i32
    %while3A_48 = arith.subi %add3A_10, %sub3A : i32
    %while3A_49 = arith.addi %sub3A, %while3A_48 : i32
    %while3A_50 = arith.constant 1 : i32
    %while3A_51 = arith.divsi %while3A_48, %while3A_50 : i32
    %while3A_52 = arith.muli %while3A_51, %while3A_50 : i32
    %while3A_53 = arith.addi %sub3A, %while3A_52 : i32
    %while3A_54 = arith.constant 1 : i32
    %while3A_55 = scf.for %while3A_141 = %sub3A to %while3A_53 step %while3A_54 iter_args(%while3A_142 = %while3A) -> (i32)  : i32 {
      %dma_start3A = arith.constant 0 : i32
      %dma_start3A_143 = tpu.memref_slice %arg11[%while3A_141, %dma_start3A] : memref<157x128xi32, #tpu.memory_space<vmem>> -> memref<1x128xi32, #tpu.memory_space<vmem>>
      %dma_start3A_144 = tpu.memref_squeeze %dma_start3A_143 : memref<1x128xi32, #tpu.memory_space<vmem>> -> memref<128xi32, #tpu.memory_space<vmem>>
      %dma_start3A_145 = arith.constant 0 : i32
      %dma_start3A_146 = tpu.memref_slice %arg7[%dma_start3A_145] : memref<10240xf32, #tpu.memory_space<vmem_shared>> -> memref<10240xf32, #tpu.memory_space<vmem_shared>>
      tpu.enqueue_indirect_dma source(%arg15 : memref<128xf32, #tpu.memory_space<vmem>>) target(%dma_start3A_146 : memref<10240xf32, #tpu.memory_space<vmem_shared>>) offsets(%dma_start3A_144 : memref<128xi32, #tpu.memory_space<vmem>>) semaphore(%arg20 : memref<!tpu.dma_semaphore, #tpu.memory_space<semaphore_mem>>) {add = true}
      %dma_start3A_147 = arith.constant 0 : i32
      %dma_start3A_148 = tpu.memref_slice %arg12[%while3A_141, %dma_start3A_147] : memref<157x128xi32, #tpu.memory_space<vmem>> -> memref<1x128xi32, #tpu.memory_space<vmem>>
      %dma_start3A_149 = tpu.memref_squeeze %dma_start3A_148 : memref<1x128xi32, #tpu.memory_space<vmem>> -> memref<128xi32, #tpu.memory_space<vmem>>
      %dma_start3A_150 = arith.constant 0 : i32
      %dma_start3A_151 = tpu.memref_slice %arg8[%dma_start3A_150] : memref<10240xf32, #tpu.memory_space<vmem_shared>> -> memref<10240xf32, #tpu.memory_space<vmem_shared>>
      tpu.enqueue_indirect_dma source(%arg15 : memref<128xf32, #tpu.memory_space<vmem>>) target(%dma_start3A_151 : memref<10240xf32, #tpu.memory_space<vmem_shared>>) offsets(%dma_start3A_149 : memref<128xi32, #tpu.memory_space<vmem>>) semaphore(%arg20 : memref<!tpu.dma_semaphore, #tpu.memory_space<semaphore_mem>>) {add = true}
      %add3A_152 = arith.constant 24 : i32
      %add3A_153 = arith.addi %sub3A, %add3A_152 : i32
      %ge3A = arith.cmpi sge, %while3A_141, %add3A_153 : i32
      %convert_element_type3A_154 = arith.extui %ge3A : i1 to i32
      %cond3A_155 = arith.constant 0 : i32
      %cond3A_156 = arith.cmpi ne, %convert_element_type3A_154, %cond3A_155 : i32
      scf.if %cond3A_156 {
        %sub3A_158 = arith.constant 24 : i32
        %sub3A_159 = arith.subi %while3A_141, %sub3A_158 : i32
        %dma_wait3A = arith.constant 0 : i32
        %dma_wait3A_160 = tpu.memref_slice %arg11[%sub3A_159, %dma_wait3A] : memref<157x128xi32, #tpu.memory_space<vmem>> -> memref<1x128xi32, #tpu.memory_space<vmem>>
        %dma_wait3A_161 = tpu.memref_squeeze %dma_wait3A_160 : memref<1x128xi32, #tpu.memory_space<vmem>> -> memref<128xi32, #tpu.memory_space<vmem>>
        %dma_wait3A_162 = arith.constant 0 : i32
        %dma_wait3A_163 = tpu.memref_slice %arg7[%dma_wait3A_162] : memref<10240xf32, #tpu.memory_space<vmem_shared>> -> memref<10240xf32, #tpu.memory_space<vmem_shared>>
        tpu.wait_indirect_dma semaphore(%arg20 : memref<!tpu.dma_semaphore, #tpu.memory_space<semaphore_mem>>) src(%arg15 : memref<128xf32, #tpu.memory_space<vmem>>) dst(%dma_wait3A_163 : memref<10240xf32, #tpu.memory_space<vmem_shared>>)
        %sub3A_164 = arith.constant 24 : i32
        %sub3A_165 = arith.subi %while3A_141, %sub3A_164 : i32
        %dma_wait3A_166 = arith.constant 0 : i32
        %dma_wait3A_167 = tpu.memref_slice %arg12[%sub3A_165, %dma_wait3A_166] : memref<157x128xi32, #tpu.memory_space<vmem>> -> memref<1x128xi32, #tpu.memory_space<vmem>>
        %dma_wait3A_168 = tpu.memref_squeeze %dma_wait3A_167 : memref<1x128xi32, #tpu.memory_space<vmem>> -> memref<128xi32, #tpu.memory_space<vmem>>
        %dma_wait3A_169 = arith.constant 0 : i32
        %dma_wait3A_170 = tpu.memref_slice %arg8[%dma_wait3A_169] : memref<10240xf32, #tpu.memory_space<vmem_shared>> -> memref<10240xf32, #tpu.memory_space<vmem_shared>>
        tpu.wait_indirect_dma semaphore(%arg20 : memref<!tpu.dma_semaphore, #tpu.memory_space<semaphore_mem>>) src(%arg15 : memref<128xf32, #tpu.memory_space<vmem>>) dst(%dma_wait3A_170 : memref<10240xf32, #tpu.memory_space<vmem_shared>>)
      } else {
      }
      %while3A_157 = arith.constant 0 : i32
      scf.yield %while3A_157 : i32
    }
    %while3A_56 = arith.constant 1 : i32
    %while3A_57 = scf.for %while3A_141 = %while3A_53 to %while3A_49 step %while3A_56 iter_args(%while3A_142 = %while3A_55) -> (i32)  : i32 {
      %dma_start3A = arith.constant 0 : i32
      %dma_start3A_143 = tpu.memref_slice %arg11[%while3A_141, %dma_start3A] : memref<157x128xi32, #tpu.memory_space<vmem>> -> memref<1x128xi32, #tpu.memory_space<vmem>>
      %dma_start3A_144 = tpu.memref_squeeze %dma_start3A_143 : memref<1x128xi32, #tpu.memory_space<vmem>> -> memref<128xi32, #tpu.memory_space<vmem>>
      %dma_start3A_145 = arith.constant 0 : i32
      %dma_start3A_146 = tpu.memref_slice %arg7[%dma_start3A_145] : memref<10240xf32, #tpu.memory_space<vmem_shared>> -> memref<10240xf32, #tpu.memory_space<vmem_shared>>
      tpu.enqueue_indirect_dma source(%arg15 : memref<128xf32, #tpu.memory_space<vmem>>) target(%dma_start3A_146 : memref<10240xf32, #tpu.memory_space<vmem_shared>>) offsets(%dma_start3A_144 : memref<128xi32, #tpu.memory_space<vmem>>) semaphore(%arg20 : memref<!tpu.dma_semaphore, #tpu.memory_space<semaphore_mem>>) {add = true}
      %dma_start3A_147 = arith.constant 0 : i32
      %dma_start3A_148 = tpu.memref_slice %arg12[%while3A_141, %dma_start3A_147] : memref<157x128xi32, #tpu.memory_space<vmem>> -> memref<1x128xi32, #tpu.memory_space<vmem>>
      %dma_start3A_149 = tpu.memref_squeeze %dma_start3A_148 : memref<1x128xi32, #tpu.memory_space<vmem>> -> memref<128xi32, #tpu.memory_space<vmem>>
      %dma_start3A_150 = arith.constant 0 : i32
      %dma_start3A_151 = tpu.memref_slice %arg8[%dma_start3A_150] : memref<10240xf32, #tpu.memory_space<vmem_shared>> -> memref<10240xf32, #tpu.memory_space<vmem_shared>>
      tpu.enqueue_indirect_dma source(%arg15 : memref<128xf32, #tpu.memory_space<vmem>>) target(%dma_start3A_151 : memref<10240xf32, #tpu.memory_space<vmem_shared>>) offsets(%dma_start3A_149 : memref<128xi32, #tpu.memory_space<vmem>>) semaphore(%arg20 : memref<!tpu.dma_semaphore, #tpu.memory_space<semaphore_mem>>) {add = true}
      %add3A_152 = arith.constant 24 : i32
      %add3A_153 = arith.addi %sub3A, %add3A_152 : i32
      %ge3A = arith.cmpi sge, %while3A_141, %add3A_153 : i32
      %convert_element_type3A_154 = arith.extui %ge3A : i1 to i32
      %cond3A_155 = arith.constant 0 : i32
      %cond3A_156 = arith.cmpi ne, %convert_element_type3A_154, %cond3A_155 : i32
      scf.if %cond3A_156 {
        %sub3A_158 = arith.constant 24 : i32
        %sub3A_159 = arith.subi %while3A_141, %sub3A_158 : i32
        %dma_wait3A = arith.constant 0 : i32
        %dma_wait3A_160 = tpu.memref_slice %arg11[%sub3A_159, %dma_wait3A] : memref<157x128xi32, #tpu.memory_space<vmem>> -> memref<1x128xi32, #tpu.memory_space<vmem>>
        %dma_wait3A_161 = tpu.memref_squeeze %dma_wait3A_160 : memref<1x128xi32, #tpu.memory_space<vmem>> -> memref<128xi32, #tpu.memory_space<vmem>>
        %dma_wait3A_162 = arith.constant 0 : i32
        %dma_wait3A_163 = tpu.memref_slice %arg7[%dma_wait3A_162] : memref<10240xf32, #tpu.memory_space<vmem_shared>> -> memref<10240xf32, #tpu.memory_space<vmem_shared>>
        tpu.wait_indirect_dma semaphore(%arg20 : memref<!tpu.dma_semaphore, #tpu.memory_space<semaphore_mem>>) src(%arg15 : memref<128xf32, #tpu.memory_space<vmem>>) dst(%dma_wait3A_163 : memref<10240xf32, #tpu.memory_space<vmem_shared>>)
        %sub3A_164 = arith.constant 24 : i32
        %sub3A_165 = arith.subi %while3A_141, %sub3A_164 : i32
        %dma_wait3A_166 = arith.constant 0 : i32
        %dma_wait3A_167 = tpu.memref_slice %arg12[%sub3A_165, %dma_wait3A_166] : memref<157x128xi32, #tpu.memory_space<vmem>> -> memref<1x128xi32, #tpu.memory_space<vmem>>
        %dma_wait3A_168 = tpu.memref_squeeze %dma_wait3A_167 : memref<1x128xi32, #tpu.memory_space<vmem>> -> memref<128xi32, #tpu.memory_space<vmem>>
        %dma_wait3A_169 = arith.constant 0 : i32
        %dma_wait3A_170 = tpu.memref_slice %arg8[%dma_wait3A_169] : memref<10240xf32, #tpu.memory_space<vmem_shared>> -> memref<10240xf32, #tpu.memory_space<vmem_shared>>
        tpu.wait_indirect_dma semaphore(%arg20 : memref<!tpu.dma_semaphore, #tpu.memory_space<semaphore_mem>>) src(%arg15 : memref<128xf32, #tpu.memory_space<vmem>>) dst(%dma_wait3A_170 : memref<10240xf32, #tpu.memory_space<vmem_shared>>)
      } else {
      }
      %while3A_157 = arith.constant 0 : i32
      scf.yield %while3A_157 : i32
    }
    %eq3A = arith.constant 0 : i32
    %eq3A_58 = arith.cmpi eq, %arg0, %eq3A : i32
    %convert_element_type3A = arith.extui %eq3A_58 : i1 to i32
    %cond3A = arith.constant 0 : i32
    %cond3A_59 = arith.cmpi ne, %convert_element_type3A, %cond3A : i32
    scf.if %cond3A_59 {
      %dma_start3A = tpu.memref_slice %arg3[%mul3A_0] : memref<10240xf32, #tpu.memory_space<hbm>> -> memref<640xf32, #tpu.memory_space<hbm>>
      %dma_start3A_141 = tpu.memref_slice %arg3[%mul3A_0] : memref<10240xf32, #tpu.memory_space<hbm>> -> memref<640xf32, #tpu.memory_space<hbm>>
      tpu.enqueue_dma source(%dma_start3A_141 : memref<640xf32, #tpu.memory_space<hbm>>) target(%arg19 : memref<640xf32, #tpu.memory_space<vmem>>) target_semaphore(%arg21 : memref<!tpu.dma_semaphore, #tpu.memory_space<semaphore_mem>>)
    } else {
    }
    %eq3A_60 = arith.constant 1 : i32
    %eq3A_61 = arith.cmpi eq, %arg0, %eq3A_60 : i32
    %convert_element_type3A_62 = arith.extui %eq3A_61 : i1 to i32
    %cond3A_63 = arith.constant 0 : i32
    %cond3A_64 = arith.cmpi ne, %convert_element_type3A_62, %cond3A_63 : i32
    scf.if %cond3A_64 {
      %dma_start3A = tpu.memref_slice %arg4[%mul3A_0] : memref<10240xf32, #tpu.memory_space<hbm>> -> memref<640xf32, #tpu.memory_space<hbm>>
      %dma_start3A_141 = tpu.memref_slice %arg4[%mul3A_0] : memref<10240xf32, #tpu.memory_space<hbm>> -> memref<640xf32, #tpu.memory_space<hbm>>
      tpu.enqueue_dma source(%dma_start3A_141 : memref<640xf32, #tpu.memory_space<hbm>>) target(%arg19 : memref<640xf32, #tpu.memory_space<vmem>>) target_semaphore(%arg21 : memref<!tpu.dma_semaphore, #tpu.memory_space<semaphore_mem>>)
    } else {
    }
    %scan3A_65 = arith.constant 0 : i32
    %scan3A_66 = arith.constant 0 : i32
    %scan3A_67 = arith.constant 24 : i32
    %scan3A_68 = arith.addi %scan3A_66, %scan3A_67 : i32
    %scan3A_69 = arith.constant 1 : i32
    %scan3A_70 = scf.for %scan3A_141 = %scan3A_66 to %scan3A_68 step %scan3A_69 iter_args(%scan3A_142 = %scan3A_65) -> (i32)  : i32 {
      %sub3A_143 = arith.constant 24 : i32
      %sub3A_144 = arith.subi %add3A_10, %sub3A_143 : i32
      %add3A_145 = arith.addi %sub3A_144, %scan3A_141 : i32
      %dma_wait3A = arith.constant 0 : i32
      %dma_wait3A_146 = tpu.memref_slice %arg11[%add3A_145, %dma_wait3A] : memref<157x128xi32, #tpu.memory_space<vmem>> -> memref<1x128xi32, #tpu.memory_space<vmem>>
      %dma_wait3A_147 = tpu.memref_squeeze %dma_wait3A_146 : memref<1x128xi32, #tpu.memory_space<vmem>> -> memref<128xi32, #tpu.memory_space<vmem>>
      %dma_wait3A_148 = arith.constant 0 : i32
      %dma_wait3A_149 = tpu.memref_slice %arg7[%dma_wait3A_148] : memref<10240xf32, #tpu.memory_space<vmem_shared>> -> memref<10240xf32, #tpu.memory_space<vmem_shared>>
      tpu.wait_indirect_dma semaphore(%arg20 : memref<!tpu.dma_semaphore, #tpu.memory_space<semaphore_mem>>) src(%arg15 : memref<128xf32, #tpu.memory_space<vmem>>) dst(%dma_wait3A_149 : memref<10240xf32, #tpu.memory_space<vmem_shared>>)
      %dma_wait3A_150 = arith.constant 0 : i32
      %dma_wait3A_151 = tpu.memref_slice %arg12[%add3A_145, %dma_wait3A_150] : memref<157x128xi32, #tpu.memory_space<vmem>> -> memref<1x128xi32, #tpu.memory_space<vmem>>
      %dma_wait3A_152 = tpu.memref_squeeze %dma_wait3A_151 : memref<1x128xi32, #tpu.memory_space<vmem>> -> memref<128xi32, #tpu.memory_space<vmem>>
      %dma_wait3A_153 = arith.constant 0 : i32
      %dma_wait3A_154 = tpu.memref_slice %arg8[%dma_wait3A_153] : memref<10240xf32, #tpu.memory_space<vmem_shared>> -> memref<10240xf32, #tpu.memory_space<vmem_shared>>
      tpu.wait_indirect_dma semaphore(%arg20 : memref<!tpu.dma_semaphore, #tpu.memory_space<semaphore_mem>>) src(%arg15 : memref<128xf32, #tpu.memory_space<vmem>>) dst(%dma_wait3A_154 : memref<10240xf32, #tpu.memory_space<vmem_shared>>)
      %scan3A_155 = arith.constant 0 : i32
      scf.yield %scan3A_155 : i32
    }
    %scan3A_71 = arith.constant 24 : i32
    %barrier3A_72 = arith.constant 0 : index
    tpu.barrier barrier_id(%barrier3A_72)
    "tpu.region"() ({
      %run_scoped3A_141 = tpu.sem_alloc : memref<!tpu.dma_semaphore, #tpu.memory_space<semaphore_mem>>
      %dma_start3A = tpu.memref_slice %arg7[%mul3A_0] : memref<10240xf32, #tpu.memory_space<vmem_shared>> -> memref<640xf32, #tpu.memory_space<vmem_shared>>
      %dma_start3A_142 = tpu.memref_slice %arg7[%mul3A_0] : memref<10240xf32, #tpu.memory_space<vmem_shared>> -> memref<640xf32, #tpu.memory_space<vmem_shared>>
      tpu.enqueue_dma source(%dma_start3A_142 : memref<640xf32, #tpu.memory_space<vmem_shared>>) target(%arg16 : memref<640xf32, #tpu.memory_space<vmem>>) target_semaphore(%run_scoped3A_141 : memref<!tpu.dma_semaphore, #tpu.memory_space<semaphore_mem>>)
      %dma_wait3A = tpu.memref_slice %arg7[%mul3A_0] : memref<10240xf32, #tpu.memory_space<vmem_shared>> -> memref<640xf32, #tpu.memory_space<vmem_shared>>
      %dma_wait3A_143 = tpu.memref_slice %arg7[%mul3A_0] : memref<10240xf32, #tpu.memory_space<vmem_shared>> -> memref<640xf32, #tpu.memory_space<vmem_shared>>
      tpu.wait_dma2 semaphore(%run_scoped3A_141 : memref<!tpu.dma_semaphore, #tpu.memory_space<semaphore_mem>>) src(%dma_wait3A_143 : memref<640xf32, #tpu.memory_space<vmem_shared>>) dst(%arg16 : memref<640xf32, #tpu.memory_space<vmem>>)
      tpu.yield
    }) : () -> ()
    %scan3A_73 = arith.constant 0 : i32
    %scan3A_74 = arith.constant 0 : i32
    %scan3A_75 = arith.constant 40 : i32
    %scan3A_76 = arith.addi %scan3A_74, %scan3A_75 : i32
    %scan3A_77 = arith.constant 1 : i32
    %scan3A_78 = scf.for %scan3A_141 = %scan3A_74 to %scan3A_76 step %scan3A_77 iter_args(%scan3A_142 = %scan3A_73) -> (i32)  : i32 {
      %mul3A_143 = arith.constant 16 : i32
      %mul3A_144 = arith.muli %scan3A_141, %mul3A_143 : i32
      %get3A = arith.index_cast %mul3A_144 : i32 to index
      %get3A_145 = tpu.vector_load %arg16[%get3A] {strides = array<i32>} : memref<640xf32, #tpu.memory_space<vmem>>, vector<16xf32>,
      %mul3A_146 = arith.constant 6.250000e-02 : f32
      %mul3A_147 = vector.broadcast %mul3A_146 : f32 to vector<16xf32>
      %mul3A_148 = arith.mulf %get3A_145, %mul3A_147 : vector<16xf32>
      %max3A = arith.constant 1.000000e+00 : f32
      %max3A_149 = vector.broadcast %max3A : f32 to vector<16xf32>
      %max3A_150 = arith.maximumf %max3A_149, %mul3A_148 : vector<16xf32>
      %div3A = arith.divf %get3A_145, %max3A_150 : vector<16xf32>
      %add3A_151 = arith.addf %max3A_150, %div3A : vector<16xf32>
      %mul3A_152 = arith.constant 5.000000e-01 : f32
      %mul3A_153 = vector.broadcast %mul3A_152 : f32 to vector<16xf32>
      %mul3A_154 = arith.mulf %mul3A_153, %add3A_151 : vector<16xf32>
      %div3A_155 = arith.divf %get3A_145, %mul3A_154 : vector<16xf32>
      %add3A_156 = arith.addf %mul3A_154, %div3A_155 : vector<16xf32>
      %mul3A_157 = arith.constant 5.000000e-01 : f32
      %mul3A_158 = vector.broadcast %mul3A_157 : f32 to vector<16xf32>
      %mul3A_159 = arith.mulf %mul3A_158, %add3A_156 : vector<16xf32>
      %div3A_160 = arith.divf %get3A_145, %mul3A_159 : vector<16xf32>
      %add3A_161 = arith.addf %mul3A_159, %div3A_160 : vector<16xf32>
      %mul3A_162 = arith.constant 5.000000e-01 : f32
      %mul3A_163 = vector.broadcast %mul3A_162 : f32 to vector<16xf32>
      %mul3A_164 = arith.mulf %mul3A_163, %add3A_161 : vector<16xf32>
      %div3A_165 = arith.divf %get3A_145, %mul3A_164 : vector<16xf32>
      %add3A_166 = arith.addf %mul3A_164, %div3A_165 : vector<16xf32>
      %mul3A_167 = arith.constant 5.000000e-01 : f32
      %mul3A_168 = vector.broadcast %mul3A_167 : f32 to vector<16xf32>
      %mul3A_169 = arith.mulf %mul3A_168, %add3A_166 : vector<16xf32>
      %div3A_170 = arith.divf %get3A_145, %mul3A_169 : vector<16xf32>
      %add3A_171 = arith.addf %mul3A_169, %div3A_170 : vector<16xf32>
      %mul3A_172 = arith.constant 5.000000e-01 : f32
      %mul3A_173 = vector.broadcast %mul3A_172 : f32 to vector<16xf32>
      %mul3A_174 = arith.mulf %mul3A_173, %add3A_171 : vector<16xf32>
      %div3A_175 = arith.divf %get3A_145, %mul3A_174 : vector<16xf32>
      %add3A_176 = arith.addf %mul3A_174, %div3A_175 : vector<16xf32>
      %mul3A_177 = arith.constant 5.000000e-01 : f32
      %mul3A_178 = vector.broadcast %mul3A_177 : f32 to vector<16xf32>
      %mul3A_179 = arith.mulf %mul3A_178, %add3A_176 : vector<16xf32>
      %div3A_180 = arith.divf %get3A_145, %mul3A_179 : vector<16xf32>
      %add3A_181 = arith.addf %mul3A_179, %div3A_180 : vector<16xf32>
      %mul3A_182 = arith.constant 5.000000e-01 : f32
      %mul3A_183 = vector.broadcast %mul3A_182 : f32 to vector<16xf32>
      %mul3A_184 = arith.mulf %mul3A_183, %add3A_181 : vector<16xf32>
      %div3A_185 = arith.divf %get3A_145, %mul3A_184 : vector<16xf32>
      %add3A_186 = arith.addf %mul3A_184, %div3A_185 : vector<16xf32>
      %mul3A_187 = arith.constant 5.000000e-01 : f32
      %mul3A_188 = vector.broadcast %mul3A_187 : f32 to vector<16xf32>
      %mul3A_189 = arith.mulf %mul3A_188, %add3A_186 : vector<16xf32>
      %div3A_190 = arith.divf %get3A_145, %mul3A_189 : vector<16xf32>
      %add3A_191 = arith.addf %mul3A_189, %div3A_190 : vector<16xf32>
      %mul3A_192 = arith.constant 5.000000e-01 : f32
      %mul3A_193 = vector.broadcast %mul3A_192 : f32 to vector<16xf32>
      %mul3A_194 = arith.mulf %mul3A_193, %add3A_191 : vector<16xf32>
      %div3A_195 = arith.divf %get3A_145, %mul3A_194 : vector<16xf32>
      %add3A_196 = arith.addf %mul3A_194, %div3A_195 : vector<16xf32>
      %mul3A_197 = arith.constant 5.000000e-01 : f32
      %mul3A_198 = vector.broadcast %mul3A_197 : f32 to vector<16xf32>
      %mul3A_199 = arith.mulf %mul3A_198, %add3A_196 : vector<16xf32>
      %gt3A = arith.constant 5.000000e-01 : f32
      %gt3A_200 = vector.broadcast %gt3A : f32 to vector<16xf32>
      %gt3A_201 = arith.cmpf ogt, %get3A_145, %gt3A_200 : vector<16xf32>
      %div3A_202 = arith.constant 1.000000e+00 : f32
      %div3A_203 = vector.broadcast %div3A_202 : f32 to vector<16xf32>
      %div3A_204 = arith.divf %div3A_203, %mul3A_199 : vector<16xf32>
      %jit3A_205 = arith.constant 0.000000e+00 : f32
      %broadcast_in_dim3A_206 = vector.broadcast %jit3A_205 : f32 to vector<16xf32>
      %select_n3A_207 = arith.select %gt3A_201, %div3A_204, %broadcast_in_dim3A_206 : vector<16xi1>, vector<16xf32>
      %swap3A_208 = arith.index_cast %mul3A_144 : i32 to index
      %swap3A_209 = tpu.vector_load %arg16[%swap3A_208] {strides = array<i32>} : memref<640xf32, #tpu.memory_space<vmem>>, vector<16xf32>,
      tpu.vector_store %arg16[%swap3A_208], %select_n3A_207 {strides = array<i32>} : memref<640xf32, #tpu.memory_space<vmem>>, vector<16xf32>,
      %scan3A_210 = arith.constant 0 : i32
      scf.yield %scan3A_210 : i32
    }
    %scan3A_79 = arith.constant 40 : i32
    %eq3A_80 = arith.constant 0 : i32
    %eq3A_81 = arith.cmpi eq, %arg0, %eq3A_80 : i32
    %convert_element_type3A_82 = arith.extui %eq3A_81 : i1 to i32
    %cond3A_83 = arith.constant 0 : i32
    %cond3A_84 = arith.cmpi ne, %convert_element_type3A_82, %cond3A_83 : i32
    scf.if %cond3A_84 {
      %dma_wait3A = tpu.memref_slice %arg3[%mul3A_0] : memref<10240xf32, #tpu.memory_space<hbm>> -> memref<640xf32, #tpu.memory_space<hbm>>
      %dma_wait3A_141 = tpu.memref_slice %arg3[%mul3A_0] : memref<10240xf32, #tpu.memory_space<hbm>> -> memref<640xf32, #tpu.memory_space<hbm>>
      tpu.wait_dma2 semaphore(%arg21 : memref<!tpu.dma_semaphore, #tpu.memory_space<semaphore_mem>>) src(%dma_wait3A_141 : memref<640xf32, #tpu.memory_space<hbm>>) dst(%arg19 : memref<640xf32, #tpu.memory_space<vmem>>)
    } else {
    }
    %eq3A_85 = arith.constant 1 : i32
    %eq3A_86 = arith.cmpi eq, %arg0, %eq3A_85 : i32
    %convert_element_type3A_87 = arith.extui %eq3A_86 : i1 to i32
    %cond3A_88 = arith.constant 0 : i32
    %cond3A_89 = arith.cmpi ne, %convert_element_type3A_87, %cond3A_88 : i32
    scf.if %cond3A_89 {
      %dma_wait3A = tpu.memref_slice %arg4[%mul3A_0] : memref<10240xf32, #tpu.memory_space<hbm>> -> memref<640xf32, #tpu.memory_space<hbm>>
      %dma_wait3A_141 = tpu.memref_slice %arg4[%mul3A_0] : memref<10240xf32, #tpu.memory_space<hbm>> -> memref<640xf32, #tpu.memory_space<hbm>>
      tpu.wait_dma2 semaphore(%arg21 : memref<!tpu.dma_semaphore, #tpu.memory_space<semaphore_mem>>) src(%dma_wait3A_141 : memref<640xf32, #tpu.memory_space<hbm>>) dst(%arg19 : memref<640xf32, #tpu.memory_space<vmem>>)
    } else {
    }
    %scan3A_90 = arith.constant 0 : i32
    %scan3A_91 = arith.constant 0 : i32
    %scan3A_92 = arith.constant 40 : i32
    %scan3A_93 = arith.addi %scan3A_91, %scan3A_92 : i32
    %scan3A_94 = arith.constant 1 : i32
    %scan3A_95 = scf.for %scan3A_141 = %scan3A_91 to %scan3A_93 step %scan3A_94 iter_args(%scan3A_142 = %scan3A_90) -> (i32)  : i32 {
      %mul3A_143 = arith.constant 16 : i32
      %mul3A_144 = arith.muli %scan3A_141, %mul3A_143 : i32
      %get3A = arith.index_cast %mul3A_144 : i32 to index
      %get3A_145 = tpu.vector_load %arg19[%get3A] {strides = array<i32>} : memref<640xf32, #tpu.memory_space<vmem>>, vector<16xf32>,
      %get3A_146 = arith.index_cast %mul3A_144 : i32 to index
      %get3A_147 = tpu.vector_load %arg16[%get3A_146] {strides = array<i32>} : memref<640xf32, #tpu.memory_space<vmem>>, vector<16xf32>,
      %mul3A_148 = arith.mulf %get3A_145, %get3A_147 : vector<16xf32>
      %swap3A_149 = arith.index_cast %mul3A_144 : i32 to index
      %swap3A_150 = tpu.vector_load %arg17[%swap3A_149] {strides = array<i32>} : memref<640xf32, #tpu.memory_space<vmem>>, vector<16xf32>,
      tpu.vector_store %arg17[%swap3A_149], %mul3A_148 {strides = array<i32>} : memref<640xf32, #tpu.memory_space<vmem>>, vector<16xf32>,
      %scan3A_151 = arith.constant 0 : i32
      scf.yield %scan3A_151 : i32
    }
    %scan3A_96 = arith.constant 40 : i32
    "tpu.region"() ({
      %run_scoped3A_141 = tpu.sem_alloc : memref<!tpu.dma_semaphore, #tpu.memory_space<semaphore_mem>>
      %dma_start3A = tpu.memref_slice %arg9[%mul3A_0] : memref<10240xf32, #tpu.memory_space<vmem_shared>> -> memref<640xf32, #tpu.memory_space<vmem_shared>>
      %dma_start3A_142 = tpu.memref_slice %arg9[%mul3A_0] : memref<10240xf32, #tpu.memory_space<vmem_shared>> -> memref<640xf32, #tpu.memory_space<vmem_shared>>
      tpu.enqueue_dma source(%arg17 : memref<640xf32, #tpu.memory_space<vmem>>) target(%dma_start3A_142 : memref<640xf32, #tpu.memory_space<vmem_shared>>) target_semaphore(%run_scoped3A_141 : memref<!tpu.dma_semaphore, #tpu.memory_space<semaphore_mem>>)
      %dma_wait3A = tpu.memref_slice %arg9[%mul3A_0] : memref<10240xf32, #tpu.memory_space<vmem_shared>> -> memref<640xf32, #tpu.memory_space<vmem_shared>>
      %dma_wait3A_143 = tpu.memref_slice %arg9[%mul3A_0] : memref<10240xf32, #tpu.memory_space<vmem_shared>> -> memref<640xf32, #tpu.memory_space<vmem_shared>>
      tpu.wait_dma2 semaphore(%run_scoped3A_141 : memref<!tpu.dma_semaphore, #tpu.memory_space<semaphore_mem>>) src(%arg17 : memref<640xf32, #tpu.memory_space<vmem>>) dst(%dma_wait3A_143 : memref<640xf32, #tpu.memory_space<vmem_shared>>)
      tpu.yield
    }) : () -> ()
    "tpu.region"() ({
      %run_scoped3A_141 = tpu.sem_alloc : memref<!tpu.dma_semaphore, #tpu.memory_space<semaphore_mem>>
      %dma_start3A = tpu.memref_slice %arg8[%mul3A_0] : memref<10240xf32, #tpu.memory_space<vmem_shared>> -> memref<640xf32, #tpu.memory_space<vmem_shared>>
      %dma_start3A_142 = tpu.memref_slice %arg8[%mul3A_0] : memref<10240xf32, #tpu.memory_space<vmem_shared>> -> memref<640xf32, #tpu.memory_space<vmem_shared>>
      tpu.enqueue_dma source(%dma_start3A_142 : memref<640xf32, #tpu.memory_space<vmem_shared>>) target(%arg18 : memref<640xf32, #tpu.memory_space<vmem>>) target_semaphore(%run_scoped3A_141 : memref<!tpu.dma_semaphore, #tpu.memory_space<semaphore_mem>>)
      %dma_wait3A = tpu.memref_slice %arg8[%mul3A_0] : memref<10240xf32, #tpu.memory_space<vmem_shared>> -> memref<640xf32, #tpu.memory_space<vmem_shared>>
      %dma_wait3A_143 = tpu.memref_slice %arg8[%mul3A_0] : memref<10240xf32, #tpu.memory_space<vmem_shared>> -> memref<640xf32, #tpu.memory_space<vmem_shared>>
      tpu.wait_dma2 semaphore(%run_scoped3A_141 : memref<!tpu.dma_semaphore, #tpu.memory_space<semaphore_mem>>) src(%dma_wait3A_143 : memref<640xf32, #tpu.memory_space<vmem_shared>>) dst(%arg18 : memref<640xf32, #tpu.memory_space<vmem>>)
      tpu.yield
    }) : () -> ()
    %scan3A_97 = arith.constant 0 : i32
    %scan3A_98 = arith.constant 0 : i32
    %scan3A_99 = arith.constant 40 : i32
    %scan3A_100 = arith.addi %scan3A_98, %scan3A_99 : i32
    %scan3A_101 = arith.constant 1 : i32
    %scan3A_102 = scf.for %scan3A_141 = %scan3A_98 to %scan3A_100 step %scan3A_101 iter_args(%scan3A_142 = %scan3A_97) -> (i32)  : i32 {
      %mul3A_143 = arith.constant 16 : i32
      %mul3A_144 = arith.muli %scan3A_141, %mul3A_143 : i32
      %get3A = arith.index_cast %mul3A_144 : i32 to index
      %get3A_145 = tpu.vector_load %arg18[%get3A] {strides = array<i32>} : memref<640xf32, #tpu.memory_space<vmem>>, vector<16xf32>,
      %mul3A_146 = arith.constant 6.250000e-02 : f32
      %mul3A_147 = vector.broadcast %mul3A_146 : f32 to vector<16xf32>
      %mul3A_148 = arith.mulf %get3A_145, %mul3A_147 : vector<16xf32>
      %max3A = arith.constant 1.000000e+00 : f32
      %max3A_149 = vector.broadcast %max3A : f32 to vector<16xf32>
      %max3A_150 = arith.maximumf %max3A_149, %mul3A_148 : vector<16xf32>
      %div3A = arith.divf %get3A_145, %max3A_150 : vector<16xf32>
      %add3A_151 = arith.addf %max3A_150, %div3A : vector<16xf32>
      %mul3A_152 = arith.constant 5.000000e-01 : f32
      %mul3A_153 = vector.broadcast %mul3A_152 : f32 to vector<16xf32>
      %mul3A_154 = arith.mulf %mul3A_153, %add3A_151 : vector<16xf32>
      %div3A_155 = arith.divf %get3A_145, %mul3A_154 : vector<16xf32>
      %add3A_156 = arith.addf %mul3A_154, %div3A_155 : vector<16xf32>
      %mul3A_157 = arith.constant 5.000000e-01 : f32
      %mul3A_158 = vector.broadcast %mul3A_157 : f32 to vector<16xf32>
      %mul3A_159 = arith.mulf %mul3A_158, %add3A_156 : vector<16xf32>
      %div3A_160 = arith.divf %get3A_145, %mul3A_159 : vector<16xf32>
      %add3A_161 = arith.addf %mul3A_159, %div3A_160 : vector<16xf32>
      %mul3A_162 = arith.constant 5.000000e-01 : f32
      %mul3A_163 = vector.broadcast %mul3A_162 : f32 to vector<16xf32>
      %mul3A_164 = arith.mulf %mul3A_163, %add3A_161 : vector<16xf32>
      %div3A_165 = arith.divf %get3A_145, %mul3A_164 : vector<16xf32>
      %add3A_166 = arith.addf %mul3A_164, %div3A_165 : vector<16xf32>
      %mul3A_167 = arith.constant 5.000000e-01 : f32
      %mul3A_168 = vector.broadcast %mul3A_167 : f32 to vector<16xf32>
      %mul3A_169 = arith.mulf %mul3A_168, %add3A_166 : vector<16xf32>
      %div3A_170 = arith.divf %get3A_145, %mul3A_169 : vector<16xf32>
      %add3A_171 = arith.addf %mul3A_169, %div3A_170 : vector<16xf32>
      %mul3A_172 = arith.constant 5.000000e-01 : f32
      %mul3A_173 = vector.broadcast %mul3A_172 : f32 to vector<16xf32>
      %mul3A_174 = arith.mulf %mul3A_173, %add3A_171 : vector<16xf32>
      %div3A_175 = arith.divf %get3A_145, %mul3A_174 : vector<16xf32>
      %add3A_176 = arith.addf %mul3A_174, %div3A_175 : vector<16xf32>
      %mul3A_177 = arith.constant 5.000000e-01 : f32
      %mul3A_178 = vector.broadcast %mul3A_177 : f32 to vector<16xf32>
      %mul3A_179 = arith.mulf %mul3A_178, %add3A_176 : vector<16xf32>
      %div3A_180 = arith.divf %get3A_145, %mul3A_179 : vector<16xf32>
      %add3A_181 = arith.addf %mul3A_179, %div3A_180 : vector<16xf32>
      %mul3A_182 = arith.constant 5.000000e-01 : f32
      %mul3A_183 = vector.broadcast %mul3A_182 : f32 to vector<16xf32>
      %mul3A_184 = arith.mulf %mul3A_183, %add3A_181 : vector<16xf32>
      %div3A_185 = arith.divf %get3A_145, %mul3A_184 : vector<16xf32>
      %add3A_186 = arith.addf %mul3A_184, %div3A_185 : vector<16xf32>
      %mul3A_187 = arith.constant 5.000000e-01 : f32
      %mul3A_188 = vector.broadcast %mul3A_187 : f32 to vector<16xf32>
      %mul3A_189 = arith.mulf %mul3A_188, %add3A_186 : vector<16xf32>
      %div3A_190 = arith.divf %get3A_145, %mul3A_189 : vector<16xf32>
      %add3A_191 = arith.addf %mul3A_189, %div3A_190 : vector<16xf32>
      %mul3A_192 = arith.constant 5.000000e-01 : f32
      %mul3A_193 = vector.broadcast %mul3A_192 : f32 to vector<16xf32>
      %mul3A_194 = arith.mulf %mul3A_193, %add3A_191 : vector<16xf32>
      %div3A_195 = arith.divf %get3A_145, %mul3A_194 : vector<16xf32>
      %add3A_196 = arith.addf %mul3A_194, %div3A_195 : vector<16xf32>
      %mul3A_197 = arith.constant 5.000000e-01 : f32
      %mul3A_198 = vector.broadcast %mul3A_197 : f32 to vector<16xf32>
      %mul3A_199 = arith.mulf %mul3A_198, %add3A_196 : vector<16xf32>
      %gt3A = arith.constant 5.000000e-01 : f32
      %gt3A_200 = vector.broadcast %gt3A : f32 to vector<16xf32>
      %gt3A_201 = arith.cmpf ogt, %get3A_145, %gt3A_200 : vector<16xf32>
      %div3A_202 = arith.constant 1.000000e+00 : f32
      %div3A_203 = vector.broadcast %div3A_202 : f32 to vector<16xf32>
      %div3A_204 = arith.divf %div3A_203, %mul3A_199 : vector<16xf32>
      %jit3A_205 = arith.constant 0.000000e+00 : f32
      %broadcast_in_dim3A_206 = vector.broadcast %jit3A_205 : f32 to vector<16xf32>
      %select_n3A_207 = arith.select %gt3A_201, %div3A_204, %broadcast_in_dim3A_206 : vector<16xi1>, vector<16xf32>
      %swap3A_208 = arith.index_cast %mul3A_144 : i32 to index
      %swap3A_209 = tpu.vector_load %arg18[%swap3A_208] {strides = array<i32>} : memref<640xf32, #tpu.memory_space<vmem>>, vector<16xf32>,
      tpu.vector_store %arg18[%swap3A_208], %select_n3A_207 {strides = array<i32>} : memref<640xf32, #tpu.memory_space<vmem>>, vector<16xf32>,
      %scan3A_210 = arith.constant 0 : i32
      scf.yield %scan3A_210 : i32
    }
    %scan3A_103 = arith.constant 40 : i32
    %barrier3A_104 = arith.constant 0 : index
    tpu.barrier barrier_id(%barrier3A_104)
    "tpu.region"() ({
      %run_scoped3A_141 = tpu.sem_alloc : memref<!tpu.dma_semaphore, #tpu.memory_space<semaphore_mem>>
      tpu.enqueue_dma source(%arg9 : memref<10240xf32, #tpu.memory_space<vmem_shared>>) target(%arg13 : memref<10240xf32, #tpu.memory_space<vmem>>) target_semaphore(%run_scoped3A_141 : memref<!tpu.dma_semaphore, #tpu.memory_space<semaphore_mem>>)
      tpu.wait_dma2 semaphore(%run_scoped3A_141 : memref<!tpu.dma_semaphore, #tpu.memory_space<semaphore_mem>>) src(%arg9 : memref<10240xf32, #tpu.memory_space<vmem_shared>>) dst(%arg13 : memref<10240xf32, #tpu.memory_space<vmem>>)
      tpu.yield
    }) : () -> ()
    %while3A_105 = arith.constant 0 : i32
    %while3A_106 = arith.subi %add3A_10, %sub3A : i32
    %while3A_107 = arith.addi %sub3A, %while3A_106 : i32
    %while3A_108 = arith.constant 1 : i32
    %while3A_109 = arith.divsi %while3A_106, %while3A_108 : i32
    %while3A_110 = arith.muli %while3A_109, %while3A_108 : i32
    %while3A_111 = arith.addi %sub3A, %while3A_110 : i32
    %while3A_112 = arith.constant 1 : i32
    %while3A_113 = scf.for %while3A_141 = %sub3A to %while3A_111 step %while3A_112 iter_args(%while3A_142 = %while3A_105) -> (i32)  : i32 {
      %get3A = arith.index_cast %while3A_141 : i32 to index
      %get3A_143 = arith.constant 0 : index
      %get3A_144 = tpu.vector_load %arg11[%get3A, %get3A_143] {strides = array<i32>} : memref<157x128xi32, #tpu.memory_space<vmem>>, vector<16xi32>,
      %gather3A = tpu.vector_load_idx %arg13[%get3A_144] : memref<10240xf32, #tpu.memory_space<vmem>>[vector<16xi32>], vector<16xf32>,
      %swap3A_145 = arith.index_cast %while3A_141 : i32 to index
      %swap3A_146 = arith.constant 0 : index
      %swap3A_147 = tpu.vector_load %arg14[%swap3A_145, %swap3A_146] {strides = array<i32>} : memref<157x128xf32, #tpu.memory_space<vmem>>, vector<16xf32>,
      tpu.vector_store %arg14[%swap3A_145, %swap3A_146], %gather3A {strides = array<i32>} : memref<157x128xf32, #tpu.memory_space<vmem>>, vector<16xf32>,
      %get3A_148 = arith.index_cast %while3A_141 : i32 to index
      %get3A_149 = arith.constant 16 : index
      %get3A_150 = tpu.vector_load %arg11[%get3A_148, %get3A_149] {strides = array<i32>} : memref<157x128xi32, #tpu.memory_space<vmem>>, vector<16xi32>,
      %gather3A_151 = tpu.vector_load_idx %arg13[%get3A_150] : memref<10240xf32, #tpu.memory_space<vmem>>[vector<16xi32>], vector<16xf32>,
      %swap3A_152 = arith.index_cast %while3A_141 : i32 to index
      %swap3A_153 = arith.constant 16 : index
      %swap3A_154 = tpu.vector_load %arg14[%swap3A_152, %swap3A_153] {strides = array<i32>} : memref<157x128xf32, #tpu.memory_space<vmem>>, vector<16xf32>,
      tpu.vector_store %arg14[%swap3A_152, %swap3A_153], %gather3A_151 {strides = array<i32>} : memref<157x128xf32, #tpu.memory_space<vmem>>, vector<16xf32>,
      %get3A_155 = arith.index_cast %while3A_141 : i32 to index
      %get3A_156 = arith.constant 32 : index
      %get3A_157 = tpu.vector_load %arg11[%get3A_155, %get3A_156] {strides = array<i32>} : memref<157x128xi32, #tpu.memory_space<vmem>>, vector<16xi32>,
      %gather3A_158 = tpu.vector_load_idx %arg13[%get3A_157] : memref<10240xf32, #tpu.memory_space<vmem>>[vector<16xi32>], vector<16xf32>,
      %swap3A_159 = arith.index_cast %while3A_141 : i32 to index
      %swap3A_160 = arith.constant 32 : index
      %swap3A_161 = tpu.vector_load %arg14[%swap3A_159, %swap3A_160] {strides = array<i32>} : memref<157x128xf32, #tpu.memory_space<vmem>>, vector<16xf32>,
      tpu.vector_store %arg14[%swap3A_159, %swap3A_160], %gather3A_158 {strides = array<i32>} : memref<157x128xf32, #tpu.memory_space<vmem>>, vector<16xf32>,
      %get3A_162 = arith.index_cast %while3A_141 : i32 to index
      %get3A_163 = arith.constant 48 : index
      %get3A_164 = tpu.vector_load %arg11[%get3A_162, %get3A_163] {strides = array<i32>} : memref<157x128xi32, #tpu.memory_space<vmem>>, vector<16xi32>,
      %gather3A_165 = tpu.vector_load_idx %arg13[%get3A_164] : memref<10240xf32, #tpu.memory_space<vmem>>[vector<16xi32>], vector<16xf32>,
      %swap3A_166 = arith.index_cast %while3A_141 : i32 to index
      %swap3A_167 = arith.constant 48 : index
      %swap3A_168 = tpu.vector_load %arg14[%swap3A_166, %swap3A_167] {strides = array<i32>} : memref<157x128xf32, #tpu.memory_space<vmem>>, vector<16xf32>,
      tpu.vector_store %arg14[%swap3A_166, %swap3A_167], %gather3A_165 {strides = array<i32>} : memref<157x128xf32, #tpu.memory_space<vmem>>, vector<16xf32>,
      %get3A_169 = arith.index_cast %while3A_141 : i32 to index
      %get3A_170 = arith.constant 64 : index
      %get3A_171 = tpu.vector_load %arg11[%get3A_169, %get3A_170] {strides = array<i32>} : memref<157x128xi32, #tpu.memory_space<vmem>>, vector<16xi32>,
      %gather3A_172 = tpu.vector_load_idx %arg13[%get3A_171] : memref<10240xf32, #tpu.memory_space<vmem>>[vector<16xi32>], vector<16xf32>,
      %swap3A_173 = arith.index_cast %while3A_141 : i32 to index
      %swap3A_174 = arith.constant 64 : index
      %swap3A_175 = tpu.vector_load %arg14[%swap3A_173, %swap3A_174] {strides = array<i32>} : memref<157x128xf32, #tpu.memory_space<vmem>>, vector<16xf32>,
      tpu.vector_store %arg14[%swap3A_173, %swap3A_174], %gather3A_172 {strides = array<i32>} : memref<157x128xf32, #tpu.memory_space<vmem>>, vector<16xf32>,
      %get3A_176 = arith.index_cast %while3A_141 : i32 to index
      %get3A_177 = arith.constant 80 : index
      %get3A_178 = tpu.vector_load %arg11[%get3A_176, %get3A_177] {strides = array<i32>} : memref<157x128xi32, #tpu.memory_space<vmem>>, vector<16xi32>,
      %gather3A_179 = tpu.vector_load_idx %arg13[%get3A_178] : memref<10240xf32, #tpu.memory_space<vmem>>[vector<16xi32>], vector<16xf32>,
      %swap3A_180 = arith.index_cast %while3A_141 : i32 to index
      %swap3A_181 = arith.constant 80 : index
      %swap3A_182 = tpu.vector_load %arg14[%swap3A_180, %swap3A_181] {strides = array<i32>} : memref<157x128xf32, #tpu.memory_space<vmem>>, vector<16xf32>,
      tpu.vector_store %arg14[%swap3A_180, %swap3A_181], %gather3A_179 {strides = array<i32>} : memref<157x128xf32, #tpu.memory_space<vmem>>, vector<16xf32>,
      %get3A_183 = arith.index_cast %while3A_141 : i32 to index
      %get3A_184 = arith.constant 96 : index
      %get3A_185 = tpu.vector_load %arg11[%get3A_183, %get3A_184] {strides = array<i32>} : memref<157x128xi32, #tpu.memory_space<vmem>>, vector<16xi32>,
      %gather3A_186 = tpu.vector_load_idx %arg13[%get3A_185] : memref<10240xf32, #tpu.memory_space<vmem>>[vector<16xi32>], vector<16xf32>,
      %swap3A_187 = arith.index_cast %while3A_141 : i32 to index
      %swap3A_188 = arith.constant 96 : index
      %swap3A_189 = tpu.vector_load %arg14[%swap3A_187, %swap3A_188] {strides = array<i32>} : memref<157x128xf32, #tpu.memory_space<vmem>>, vector<16xf32>,
      tpu.vector_store %arg14[%swap3A_187, %swap3A_188], %gather3A_186 {strides = array<i32>} : memref<157x128xf32, #tpu.memory_space<vmem>>, vector<16xf32>,
      %get3A_190 = arith.index_cast %while3A_141 : i32 to index
      %get3A_191 = arith.constant 112 : index
      %get3A_192 = tpu.vector_load %arg11[%get3A_190, %get3A_191] {strides = array<i32>} : memref<157x128xi32, #tpu.memory_space<vmem>>, vector<16xi32>,
      %gather3A_193 = tpu.vector_load_idx %arg13[%get3A_192] : memref<10240xf32, #tpu.memory_space<vmem>>[vector<16xi32>], vector<16xf32>,
      %swap3A_194 = arith.index_cast %while3A_141 : i32 to index
      %swap3A_195 = arith.constant 112 : index
      %swap3A_196 = tpu.vector_load %arg14[%swap3A_194, %swap3A_195] {strides = array<i32>} : memref<157x128xf32, #tpu.memory_space<vmem>>, vector<16xf32>,
      tpu.vector_store %arg14[%swap3A_194, %swap3A_195], %gather3A_193 {strides = array<i32>} : memref<157x128xf32, #tpu.memory_space<vmem>>, vector<16xf32>,
      %dma_start3A = arith.constant 0 : i32
      %dma_start3A_197 = tpu.memref_slice %arg14[%while3A_141, %dma_start3A] : memref<157x128xf32, #tpu.memory_space<vmem>> -> memref<1x128xf32, #tpu.memory_space<vmem>>
      %dma_start3A_198 = tpu.memref_squeeze %dma_start3A_197 : memref<1x128xf32, #tpu.memory_space<vmem>> -> memref<128xf32, #tpu.memory_space<vmem>>
      %dma_start3A_199 = arith.constant 0 : i32
      %dma_start3A_200 = tpu.memref_slice %arg12[%while3A_141, %dma_start3A_199] : memref<157x128xi32, #tpu.memory_space<vmem>> -> memref<1x128xi32, #tpu.memory_space<vmem>>
      %dma_start3A_201 = tpu.memref_squeeze %dma_start3A_200 : memref<1x128xi32, #tpu.memory_space<vmem>> -> memref<128xi32, #tpu.memory_space<vmem>>
      %dma_start3A_202 = arith.constant 0 : i32
      %dma_start3A_203 = tpu.memref_slice %arg10[%dma_start3A_202] : memref<10240xf32, #tpu.memory_space<vmem_shared>> -> memref<10240xf32, #tpu.memory_space<vmem_shared>>
      tpu.enqueue_indirect_dma source(%dma_start3A_198 : memref<128xf32, #tpu.memory_space<vmem>>) target(%dma_start3A_203 : memref<10240xf32, #tpu.memory_space<vmem_shared>>) offsets(%dma_start3A_201 : memref<128xi32, #tpu.memory_space<vmem>>) semaphore(%arg20 : memref<!tpu.dma_semaphore, #tpu.memory_space<semaphore_mem>>) {add = true}
      %add3A_204 = arith.constant 24 : i32
      %add3A_205 = arith.addi %sub3A, %add3A_204 : i32
      %ge3A = arith.cmpi sge, %while3A_141, %add3A_205 : i32
      %convert_element_type3A_206 = arith.extui %ge3A : i1 to i32
      %cond3A_207 = arith.constant 0 : i32
      %cond3A_208 = arith.cmpi ne, %convert_element_type3A_206, %cond3A_207 : i32
      scf.if %cond3A_208 {
        %sub3A_210 = arith.constant 24 : i32
        %sub3A_211 = arith.subi %while3A_141, %sub3A_210 : i32
        %sub3A_212 = arith.constant 24 : i32
        %sub3A_213 = arith.subi %while3A_141, %sub3A_212 : i32
        %dma_wait3A = arith.constant 0 : i32
        %dma_wait3A_214 = tpu.memref_slice %arg14[%sub3A_211, %dma_wait3A] : memref<157x128xf32, #tpu.memory_space<vmem>> -> memref<1x128xf32, #tpu.memory_space<vmem>>
        %dma_wait3A_215 = tpu.memref_squeeze %dma_wait3A_214 : memref<1x128xf32, #tpu.memory_space<vmem>> -> memref<128xf32, #tpu.memory_space<vmem>>
        %dma_wait3A_216 = arith.constant 0 : i32
        %dma_wait3A_217 = tpu.memref_slice %arg12[%sub3A_213, %dma_wait3A_216] : memref<157x128xi32, #tpu.memory_space<vmem>> -> memref<1x128xi32, #tpu.memory_space<vmem>>
        %dma_wait3A_218 = tpu.memref_squeeze %dma_wait3A_217 : memref<1x128xi32, #tpu.memory_space<vmem>> -> memref<128xi32, #tpu.memory_space<vmem>>
        %dma_wait3A_219 = arith.constant 0 : i32
        %dma_wait3A_220 = tpu.memref_slice %arg10[%dma_wait3A_219] : memref<10240xf32, #tpu.memory_space<vmem_shared>> -> memref<10240xf32, #tpu.memory_space<vmem_shared>>
        tpu.wait_indirect_dma semaphore(%arg20 : memref<!tpu.dma_semaphore, #tpu.memory_space<semaphore_mem>>) src(%dma_wait3A_215 : memref<128xf32, #tpu.memory_space<vmem>>) dst(%dma_wait3A_220 : memref<10240xf32, #tpu.memory_space<vmem_shared>>)
      } else {
      }
      %while3A_209 = arith.constant 0 : i32
      scf.yield %while3A_209 : i32
    }
    %while3A_114 = arith.constant 1 : i32
    %while3A_115 = scf.for %while3A_141 = %while3A_111 to %while3A_107 step %while3A_114 iter_args(%while3A_142 = %while3A_113) -> (i32)  : i32 {
      %get3A = arith.index_cast %while3A_141 : i32 to index
      %get3A_143 = arith.constant 0 : index
      %get3A_144 = tpu.vector_load %arg11[%get3A, %get3A_143] {strides = array<i32>} : memref<157x128xi32, #tpu.memory_space<vmem>>, vector<16xi32>,
      %gather3A = tpu.vector_load_idx %arg13[%get3A_144] : memref<10240xf32, #tpu.memory_space<vmem>>[vector<16xi32>], vector<16xf32>,
      %swap3A_145 = arith.index_cast %while3A_141 : i32 to index
      %swap3A_146 = arith.constant 0 : index
      %swap3A_147 = tpu.vector_load %arg14[%swap3A_145, %swap3A_146] {strides = array<i32>} : memref<157x128xf32, #tpu.memory_space<vmem>>, vector<16xf32>,
      tpu.vector_store %arg14[%swap3A_145, %swap3A_146], %gather3A {strides = array<i32>} : memref<157x128xf32, #tpu.memory_space<vmem>>, vector<16xf32>,
      %get3A_148 = arith.index_cast %while3A_141 : i32 to index
      %get3A_149 = arith.constant 16 : index
      %get3A_150 = tpu.vector_load %arg11[%get3A_148, %get3A_149] {strides = array<i32>} : memref<157x128xi32, #tpu.memory_space<vmem>>, vector<16xi32>,
      %gather3A_151 = tpu.vector_load_idx %arg13[%get3A_150] : memref<10240xf32, #tpu.memory_space<vmem>>[vector<16xi32>], vector<16xf32>,
      %swap3A_152 = arith.index_cast %while3A_141 : i32 to index
      %swap3A_153 = arith.constant 16 : index
      %swap3A_154 = tpu.vector_load %arg14[%swap3A_152, %swap3A_153] {strides = array<i32>} : memref<157x128xf32, #tpu.memory_space<vmem>>, vector<16xf32>,
      tpu.vector_store %arg14[%swap3A_152, %swap3A_153], %gather3A_151 {strides = array<i32>} : memref<157x128xf32, #tpu.memory_space<vmem>>, vector<16xf32>,
      %get3A_155 = arith.index_cast %while3A_141 : i32 to index
      %get3A_156 = arith.constant 32 : index
      %get3A_157 = tpu.vector_load %arg11[%get3A_155, %get3A_156] {strides = array<i32>} : memref<157x128xi32, #tpu.memory_space<vmem>>, vector<16xi32>,
      %gather3A_158 = tpu.vector_load_idx %arg13[%get3A_157] : memref<10240xf32, #tpu.memory_space<vmem>>[vector<16xi32>], vector<16xf32>,
      %swap3A_159 = arith.index_cast %while3A_141 : i32 to index
      %swap3A_160 = arith.constant 32 : index
      %swap3A_161 = tpu.vector_load %arg14[%swap3A_159, %swap3A_160] {strides = array<i32>} : memref<157x128xf32, #tpu.memory_space<vmem>>, vector<16xf32>,
      tpu.vector_store %arg14[%swap3A_159, %swap3A_160], %gather3A_158 {strides = array<i32>} : memref<157x128xf32, #tpu.memory_space<vmem>>, vector<16xf32>,
      %get3A_162 = arith.index_cast %while3A_141 : i32 to index
      %get3A_163 = arith.constant 48 : index
      %get3A_164 = tpu.vector_load %arg11[%get3A_162, %get3A_163] {strides = array<i32>} : memref<157x128xi32, #tpu.memory_space<vmem>>, vector<16xi32>,
      %gather3A_165 = tpu.vector_load_idx %arg13[%get3A_164] : memref<10240xf32, #tpu.memory_space<vmem>>[vector<16xi32>], vector<16xf32>,
      %swap3A_166 = arith.index_cast %while3A_141 : i32 to index
      %swap3A_167 = arith.constant 48 : index
      %swap3A_168 = tpu.vector_load %arg14[%swap3A_166, %swap3A_167] {strides = array<i32>} : memref<157x128xf32, #tpu.memory_space<vmem>>, vector<16xf32>,
      tpu.vector_store %arg14[%swap3A_166, %swap3A_167], %gather3A_165 {strides = array<i32>} : memref<157x128xf32, #tpu.memory_space<vmem>>, vector<16xf32>,
      %get3A_169 = arith.index_cast %while3A_141 : i32 to index
      %get3A_170 = arith.constant 64 : index
      %get3A_171 = tpu.vector_load %arg11[%get3A_169, %get3A_170] {strides = array<i32>} : memref<157x128xi32, #tpu.memory_space<vmem>>, vector<16xi32>,
      %gather3A_172 = tpu.vector_load_idx %arg13[%get3A_171] : memref<10240xf32, #tpu.memory_space<vmem>>[vector<16xi32>], vector<16xf32>,
      %swap3A_173 = arith.index_cast %while3A_141 : i32 to index
      %swap3A_174 = arith.constant 64 : index
      %swap3A_175 = tpu.vector_load %arg14[%swap3A_173, %swap3A_174] {strides = array<i32>} : memref<157x128xf32, #tpu.memory_space<vmem>>, vector<16xf32>,
      tpu.vector_store %arg14[%swap3A_173, %swap3A_174], %gather3A_172 {strides = array<i32>} : memref<157x128xf32, #tpu.memory_space<vmem>>, vector<16xf32>,
      %get3A_176 = arith.index_cast %while3A_141 : i32 to index
      %get3A_177 = arith.constant 80 : index
      %get3A_178 = tpu.vector_load %arg11[%get3A_176, %get3A_177] {strides = array<i32>} : memref<157x128xi32, #tpu.memory_space<vmem>>, vector<16xi32>,
      %gather3A_179 = tpu.vector_load_idx %arg13[%get3A_178] : memref<10240xf32, #tpu.memory_space<vmem>>[vector<16xi32>], vector<16xf32>,
      %swap3A_180 = arith.index_cast %while3A_141 : i32 to index
      %swap3A_181 = arith.constant 80 : index
      %swap3A_182 = tpu.vector_load %arg14[%swap3A_180, %swap3A_181] {strides = array<i32>} : memref<157x128xf32, #tpu.memory_space<vmem>>, vector<16xf32>,
      tpu.vector_store %arg14[%swap3A_180, %swap3A_181], %gather3A_179 {strides = array<i32>} : memref<157x128xf32, #tpu.memory_space<vmem>>, vector<16xf32>,
      %get3A_183 = arith.index_cast %while3A_141 : i32 to index
      %get3A_184 = arith.constant 96 : index
      %get3A_185 = tpu.vector_load %arg11[%get3A_183, %get3A_184] {strides = array<i32>} : memref<157x128xi32, #tpu.memory_space<vmem>>, vector<16xi32>,
      %gather3A_186 = tpu.vector_load_idx %arg13[%get3A_185] : memref<10240xf32, #tpu.memory_space<vmem>>[vector<16xi32>], vector<16xf32>,
      %swap3A_187 = arith.index_cast %while3A_141 : i32 to index
      %swap3A_188 = arith.constant 96 : index
      %swap3A_189 = tpu.vector_load %arg14[%swap3A_187, %swap3A_188] {strides = array<i32>} : memref<157x128xf32, #tpu.memory_space<vmem>>, vector<16xf32>,
      tpu.vector_store %arg14[%swap3A_187, %swap3A_188], %gather3A_186 {strides = array<i32>} : memref<157x128xf32, #tpu.memory_space<vmem>>, vector<16xf32>,
      %get3A_190 = arith.index_cast %while3A_141 : i32 to index
      %get3A_191 = arith.constant 112 : index
      %get3A_192 = tpu.vector_load %arg11[%get3A_190, %get3A_191] {strides = array<i32>} : memref<157x128xi32, #tpu.memory_space<vmem>>, vector<16xi32>,
      %gather3A_193 = tpu.vector_load_idx %arg13[%get3A_192] : memref<10240xf32, #tpu.memory_space<vmem>>[vector<16xi32>], vector<16xf32>,
      %swap3A_194 = arith.index_cast %while3A_141 : i32 to index
      %swap3A_195 = arith.constant 112 : index
      %swap3A_196 = tpu.vector_load %arg14[%swap3A_194, %swap3A_195] {strides = array<i32>} : memref<157x128xf32, #tpu.memory_space<vmem>>, vector<16xf32>,
      tpu.vector_store %arg14[%swap3A_194, %swap3A_195], %gather3A_193 {strides = array<i32>} : memref<157x128xf32, #tpu.memory_space<vmem>>, vector<16xf32>,
      %dma_start3A = arith.constant 0 : i32
      %dma_start3A_197 = tpu.memref_slice %arg14[%while3A_141, %dma_start3A] : memref<157x128xf32, #tpu.memory_space<vmem>> -> memref<1x128xf32, #tpu.memory_space<vmem>>
      %dma_start3A_198 = tpu.memref_squeeze %dma_start3A_197 : memref<1x128xf32, #tpu.memory_space<vmem>> -> memref<128xf32, #tpu.memory_space<vmem>>
      %dma_start3A_199 = arith.constant 0 : i32
      %dma_start3A_200 = tpu.memref_slice %arg12[%while3A_141, %dma_start3A_199] : memref<157x128xi32, #tpu.memory_space<vmem>> -> memref<1x128xi32, #tpu.memory_space<vmem>>
      %dma_start3A_201 = tpu.memref_squeeze %dma_start3A_200 : memref<1x128xi32, #tpu.memory_space<vmem>> -> memref<128xi32, #tpu.memory_space<vmem>>
      %dma_start3A_202 = arith.constant 0 : i32
      %dma_start3A_203 = tpu.memref_slice %arg10[%dma_start3A_202] : memref<10240xf32, #tpu.memory_space<vmem_shared>> -> memref<10240xf32, #tpu.memory_space<vmem_shared>>
      tpu.enqueue_indirect_dma source(%dma_start3A_198 : memref<128xf32, #tpu.memory_space<vmem>>) target(%dma_start3A_203 : memref<10240xf32, #tpu.memory_space<vmem_shared>>) offsets(%dma_start3A_201 : memref<128xi32, #tpu.memory_space<vmem>>) semaphore(%arg20 : memref<!tpu.dma_semaphore, #tpu.memory_space<semaphore_mem>>) {add = true}
      %add3A_204 = arith.constant 24 : i32
      %add3A_205 = arith.addi %sub3A, %add3A_204 : i32
      %ge3A = arith.cmpi sge, %while3A_141, %add3A_205 : i32
      %convert_element_type3A_206 = arith.extui %ge3A : i1 to i32
      %cond3A_207 = arith.constant 0 : i32
      %cond3A_208 = arith.cmpi ne, %convert_element_type3A_206, %cond3A_207 : i32
      scf.if %cond3A_208 {
        %sub3A_210 = arith.constant 24 : i32
        %sub3A_211 = arith.subi %while3A_141, %sub3A_210 : i32
        %sub3A_212 = arith.constant 24 : i32
        %sub3A_213 = arith.subi %while3A_141, %sub3A_212 : i32
        %dma_wait3A = arith.constant 0 : i32
        %dma_wait3A_214 = tpu.memref_slice %arg14[%sub3A_211, %dma_wait3A] : memref<157x128xf32, #tpu.memory_space<vmem>> -> memref<1x128xf32, #tpu.memory_space<vmem>>
        %dma_wait3A_215 = tpu.memref_squeeze %dma_wait3A_214 : memref<1x128xf32, #tpu.memory_space<vmem>> -> memref<128xf32, #tpu.memory_space<vmem>>
        %dma_wait3A_216 = arith.constant 0 : i32
        %dma_wait3A_217 = tpu.memref_slice %arg12[%sub3A_213, %dma_wait3A_216] : memref<157x128xi32, #tpu.memory_space<vmem>> -> memref<1x128xi32, #tpu.memory_space<vmem>>
        %dma_wait3A_218 = tpu.memref_squeeze %dma_wait3A_217 : memref<1x128xi32, #tpu.memory_space<vmem>> -> memref<128xi32, #tpu.memory_space<vmem>>
        %dma_wait3A_219 = arith.constant 0 : i32
        %dma_wait3A_220 = tpu.memref_slice %arg10[%dma_wait3A_219] : memref<10240xf32, #tpu.memory_space<vmem_shared>> -> memref<10240xf32, #tpu.memory_space<vmem_shared>>
        tpu.wait_indirect_dma semaphore(%arg20 : memref<!tpu.dma_semaphore, #tpu.memory_space<semaphore_mem>>) src(%dma_wait3A_215 : memref<128xf32, #tpu.memory_space<vmem>>) dst(%dma_wait3A_220 : memref<10240xf32, #tpu.memory_space<vmem_shared>>)
      } else {
      }
      %while3A_209 = arith.constant 0 : i32
      scf.yield %while3A_209 : i32
    }
    %scan3A_116 = arith.constant 0 : i32
    %scan3A_117 = arith.constant 0 : i32
    %scan3A_118 = arith.constant 24 : i32
    %scan3A_119 = arith.addi %scan3A_117, %scan3A_118 : i32
    %scan3A_120 = arith.constant 1 : i32
    %scan3A_121 = scf.for %scan3A_141 = %scan3A_117 to %scan3A_119 step %scan3A_120 iter_args(%scan3A_142 = %scan3A_116) -> (i32)  : i32 {
      %sub3A_143 = arith.constant 24 : i32
      %sub3A_144 = arith.subi %add3A_10, %sub3A_143 : i32
      %add3A_145 = arith.addi %sub3A_144, %scan3A_141 : i32
      %dma_wait3A = arith.constant 0 : i32
      %dma_wait3A_146 = tpu.memref_slice %arg14[%add3A_145, %dma_wait3A] : memref<157x128xf32, #tpu.memory_space<vmem>> -> memref<1x128xf32, #tpu.memory_space<vmem>>
      %dma_wait3A_147 = tpu.memref_squeeze %dma_wait3A_146 : memref<1x128xf32, #tpu.memory_space<vmem>> -> memref<128xf32, #tpu.memory_space<vmem>>
      %dma_wait3A_148 = arith.constant 0 : i32
      %dma_wait3A_149 = tpu.memref_slice %arg12[%add3A_145, %dma_wait3A_148] : memref<157x128xi32, #tpu.memory_space<vmem>> -> memref<1x128xi32, #tpu.memory_space<vmem>>
      %dma_wait3A_150 = tpu.memref_squeeze %dma_wait3A_149 : memref<1x128xi32, #tpu.memory_space<vmem>> -> memref<128xi32, #tpu.memory_space<vmem>>
      %dma_wait3A_151 = arith.constant 0 : i32
      %dma_wait3A_152 = tpu.memref_slice %arg10[%dma_wait3A_151] : memref<10240xf32, #tpu.memory_space<vmem_shared>> -> memref<10240xf32, #tpu.memory_space<vmem_shared>>
      tpu.wait_indirect_dma semaphore(%arg20 : memref<!tpu.dma_semaphore, #tpu.memory_space<semaphore_mem>>) src(%dma_wait3A_147 : memref<128xf32, #tpu.memory_space<vmem>>) dst(%dma_wait3A_152 : memref<10240xf32, #tpu.memory_space<vmem_shared>>)
      %scan3A_153 = arith.constant 0 : i32
      scf.yield %scan3A_153 : i32
    }
    %scan3A_122 = arith.constant 24 : i32
    %barrier3A_123 = arith.constant 0 : index
    tpu.barrier barrier_id(%barrier3A_123)
    "tpu.region"() ({
      %run_scoped3A_141 = tpu.sem_alloc : memref<!tpu.dma_semaphore, #tpu.memory_space<semaphore_mem>>
      %dma_start3A = tpu.memref_slice %arg10[%mul3A_0] : memref<10240xf32, #tpu.memory_space<vmem_shared>> -> memref<640xf32, #tpu.memory_space<vmem_shared>>
      %dma_start3A_142 = tpu.memref_slice %arg10[%mul3A_0] : memref<10240xf32, #tpu.memory_space<vmem_shared>> -> memref<640xf32, #tpu.memory_space<vmem_shared>>
      tpu.enqueue_dma source(%dma_start3A_142 : memref<640xf32, #tpu.memory_space<vmem_shared>>) target(%arg16 : memref<640xf32, #tpu.memory_space<vmem>>) target_semaphore(%run_scoped3A_141 : memref<!tpu.dma_semaphore, #tpu.memory_space<semaphore_mem>>)
      %dma_wait3A = tpu.memref_slice %arg10[%mul3A_0] : memref<10240xf32, #tpu.memory_space<vmem_shared>> -> memref<640xf32, #tpu.memory_space<vmem_shared>>
      %dma_wait3A_143 = tpu.memref_slice %arg10[%mul3A_0] : memref<10240xf32, #tpu.memory_space<vmem_shared>> -> memref<640xf32, #tpu.memory_space<vmem_shared>>
      tpu.wait_dma2 semaphore(%run_scoped3A_141 : memref<!tpu.dma_semaphore, #tpu.memory_space<semaphore_mem>>) src(%dma_wait3A_143 : memref<640xf32, #tpu.memory_space<vmem_shared>>) dst(%arg16 : memref<640xf32, #tpu.memory_space<vmem>>)
      tpu.yield
    }) : () -> ()
    %scan3A_124 = arith.constant 0 : i32
    %scan3A_125 = arith.constant 0 : i32
    %scan3A_126 = arith.constant 40 : i32
    %scan3A_127 = arith.addi %scan3A_125, %scan3A_126 : i32
    %scan3A_128 = arith.constant 1 : i32
    %scan3A_129 = scf.for %scan3A_141 = %scan3A_125 to %scan3A_127 step %scan3A_128 iter_args(%scan3A_142 = %scan3A_124) -> (i32)  : i32 {
      %mul3A_143 = arith.constant 16 : i32
      %mul3A_144 = arith.muli %scan3A_141, %mul3A_143 : i32
      %get3A = arith.index_cast %mul3A_144 : i32 to index
      %get3A_145 = tpu.vector_load %arg16[%get3A] {strides = array<i32>} : memref<640xf32, #tpu.memory_space<vmem>>, vector<16xf32>,
      %get3A_146 = arith.index_cast %mul3A_144 : i32 to index
      %get3A_147 = tpu.vector_load %arg18[%get3A_146] {strides = array<i32>} : memref<640xf32, #tpu.memory_space<vmem>>, vector<16xf32>,
      %mul3A_148 = arith.mulf %get3A_145, %get3A_147 : vector<16xf32>
      %swap3A_149 = arith.index_cast %mul3A_144 : i32 to index
      %swap3A_150 = tpu.vector_load %arg16[%swap3A_149] {strides = array<i32>} : memref<640xf32, #tpu.memory_space<vmem>>, vector<16xf32>,
      tpu.vector_store %arg16[%swap3A_149], %mul3A_148 {strides = array<i32>} : memref<640xf32, #tpu.memory_space<vmem>>, vector<16xf32>,
      %scan3A_151 = arith.constant 0 : i32
      scf.yield %scan3A_151 : i32
    }
    %scan3A_130 = arith.constant 40 : i32
    %eq3A_131 = arith.constant 0 : i32
    %eq3A_132 = arith.cmpi eq, %arg0, %eq3A_131 : i32
    %convert_element_type3A_133 = arith.extui %eq3A_132 : i1 to i32
    %cond3A_134 = arith.constant 0 : i32
    %cond3A_135 = arith.cmpi ne, %convert_element_type3A_133, %cond3A_134 : i32
    scf.if %cond3A_135 {
      "tpu.region"() ({
        %run_scoped3A_141 = tpu.sem_alloc : memref<!tpu.dma_semaphore, #tpu.memory_space<semaphore_mem>>
        %dma_start3A = tpu.memref_slice %arg5[%mul3A_0] : memref<10240xf32, #tpu.memory_space<hbm>> -> memref<640xf32, #tpu.memory_space<hbm>>
        %dma_start3A_142 = tpu.memref_slice %arg5[%mul3A_0] : memref<10240xf32, #tpu.memory_space<hbm>> -> memref<640xf32, #tpu.memory_space<hbm>>
        tpu.enqueue_dma source(%arg16 : memref<640xf32, #tpu.memory_space<vmem>>) target(%dma_start3A_142 : memref<640xf32, #tpu.memory_space<hbm>>) target_semaphore(%run_scoped3A_141 : memref<!tpu.dma_semaphore, #tpu.memory_space<semaphore_mem>>)
        %dma_wait3A = tpu.memref_slice %arg5[%mul3A_0] : memref<10240xf32, #tpu.memory_space<hbm>> -> memref<640xf32, #tpu.memory_space<hbm>>
        %dma_wait3A_143 = tpu.memref_slice %arg5[%mul3A_0] : memref<10240xf32, #tpu.memory_space<hbm>> -> memref<640xf32, #tpu.memory_space<hbm>>
        tpu.wait_dma2 semaphore(%run_scoped3A_141 : memref<!tpu.dma_semaphore, #tpu.memory_space<semaphore_mem>>) src(%arg16 : memref<640xf32, #tpu.memory_space<vmem>>) dst(%dma_wait3A_143 : memref<640xf32, #tpu.memory_space<hbm>>)
        tpu.yield
      }) : () -> ()
    } else {
    }
    %eq3A_136 = arith.constant 1 : i32
    %eq3A_137 = arith.cmpi eq, %arg0, %eq3A_136 : i32
    %convert_element_type3A_138 = arith.extui %eq3A_137 : i1 to i32
    %cond3A_139 = arith.constant 0 : i32
    %cond3A_140 = arith.cmpi ne, %convert_element_type3A_138, %cond3A_139 : i32
    scf.if %cond3A_140 {
      "tpu.region"() ({
        %run_scoped3A_141 = tpu.sem_alloc : memref<!tpu.dma_semaphore, #tpu.memory_space<semaphore_mem>>
        %dma_start3A = tpu.memref_slice %arg6[%mul3A_0] : memref<10240xf32, #tpu.memory_space<hbm>> -> memref<640xf32, #tpu.memory_space<hbm>>
        %dma_start3A_142 = tpu.memref_slice %arg6[%mul3A_0] : memref<10240xf32, #tpu.memory_space<hbm>> -> memref<640xf32, #tpu.memory_space<hbm>>
        tpu.enqueue_dma source(%arg16 : memref<640xf32, #tpu.memory_space<vmem>>) target(%dma_start3A_142 : memref<640xf32, #tpu.memory_space<hbm>>) target_semaphore(%run_scoped3A_141 : memref<!tpu.dma_semaphore, #tpu.memory_space<semaphore_mem>>)
        %dma_wait3A = tpu.memref_slice %arg6[%mul3A_0] : memref<10240xf32, #tpu.memory_space<hbm>> -> memref<640xf32, #tpu.memory_space<hbm>>
        %dma_wait3A_143 = tpu.memref_slice %arg6[%mul3A_0] : memref<10240xf32, #tpu.memory_space<hbm>> -> memref<640xf32, #tpu.memory_space<hbm>>
        tpu.wait_dma2 semaphore(%run_scoped3A_141 : memref<!tpu.dma_semaphore, #tpu.memory_space<semaphore_mem>>) src(%arg16 : memref<640xf32, #tpu.memory_space<vmem>>) dst(%dma_wait3A_143 : memref<640xf32, #tpu.memory_space<hbm>>)
        tpu.yield
      }) : () -> ()
    } else {
    }
    return
  }
}

module attributes {stable_mosaic.version = 14 : i64} {
  func.func @_tc_body(%arg0: i32, %arg1: memref<2048x128xf32, #tpu.memory_space<vmem>>, %arg2: memref<129x2048xf32, #tpu.memory_space<vmem>>, %arg3: memref<128x128xf32, #tpu.memory_space<vmem>>, %arg4: memref<128x1xf32, #tpu.memory_space<vmem>>, %arg5: memref<129x128xf32, #tpu.memory_space<vmem>>, %arg6: memref<128x1xf32, #tpu.memory_space<vmem>>, %arg7: memref<1x128xf32, #tpu.memory_space<vmem>>, %arg8: memref<1x1xf32, #tpu.memory_space<vmem>>, %arg9: memref<1x128xf32, #tpu.memory_space<vmem>>, %arg10: memref<1x1xf32, #tpu.memory_space<vmem>>, %arg11: memref<2048xf32, #tpu.memory_space<vmem>>, %arg12: memref<2048xf32, #tpu.memory_space<vmem>>, %arg13: memref<1x1xf32, #tpu.memory_space<vmem>>, %arg14: memref<1x1xf32, #tpu.memory_space<vmem>>) attributes {dimension_semantics = [#tpu.dimension_semantics<arbitrary>], iteration_bounds = array<i64: 5>, scalar_prefetch = 0 : i64, scratch_operands = 0 : i64, tpu.core_type = #tpu.core_type<tc>, window_params = [{transform_indices = @transform_0, window_bounds = array<i64: 2048, 128>}, {transform_indices = @transform_1, window_bounds = array<i64: 129, 2048>}, {pipeline_mode = #tpu.pipeline_mode<synchronous>, transform_indices = @transform_2, window_bounds = array<i64: 128, 128>}, {pipeline_mode = #tpu.pipeline_mode<synchronous>, transform_indices = @transform_3, window_bounds = array<i64: 128, 1>}, {pipeline_mode = #tpu.pipeline_mode<synchronous>, transform_indices = @transform_4, window_bounds = array<i64: 129, 128>}, {pipeline_mode = #tpu.pipeline_mode<synchronous>, transform_indices = @transform_5, window_bounds = array<i64: 128, 1>}, {pipeline_mode = #tpu.pipeline_mode<synchronous>, transform_indices = @transform_6, window_bounds = array<i64: 1, 128>}, {pipeline_mode = #tpu.pipeline_mode<synchronous>, transform_indices = @transform_7, window_bounds = array<i64: 1, 1>}, {pipeline_mode = #tpu.pipeline_mode<synchronous>, transform_indices = @transform_8, window_bounds = array<i64: 1, 128>}, {pipeline_mode = #tpu.pipeline_mode<synchronous>, transform_indices = @transform_9, window_bounds = array<i64: 1, 1>}, {transform_indices = @transform_10, window_bounds = array<i64: 2048>}, {transform_indices = @transform_11, window_bounds = array<i64: 2048>}, {pipeline_mode = #tpu.pipeline_mode<synchronous>, transform_indices = @transform_12, window_bounds = array<i64: 1, 1>}, {pipeline_mode = #tpu.pipeline_mode<synchronous>, transform_indices = @transform_13, window_bounds = array<i64: 1, 1>}]} {
    %get3A = arith.constant 0 : index
    %get3A_0 = arith.constant 0 : index
    %get3A_1 = vector.load %arg3[%get3A, %get3A_0] : memref<128x128xf32, #tpu.memory_space<vmem>>, vector<128x128xf32>
    %get3A_2 = arith.constant 0 : index
    %get3A_3 = arith.constant 0 : index
    %get3A_4 = vector.load %arg4[%get3A_2, %get3A_3] : memref<128x1xf32, #tpu.memory_space<vmem>>, vector<128x1xf32>
    %dot_general3A = arith.constant dense<0.000000e+00> : vector<128x1xf32>
    %dot_general3A_5 = tpu.matmul %get3A_1, %get3A_4, %dot_general3A {dimension_numbers = #tpu.dot_dimension_numbers<[1], [0], [0], [1], [0, 0, 1, 1], [], []>, transpose_lhs_hint = false} : vector<128x128xf32>, vector<128x1xf32>, vector<128x1xf32> -> vector<128x1xf32>
    %get3A_6 = arith.constant 0 : index
    %get3A_7 = arith.constant 0 : index
    %get3A_8 = vector.load %arg5[%get3A_6, %get3A_7] : memref<129x128xf32, #tpu.memory_space<vmem>>, vector<129x128xf32>
    %get3A_9 = arith.constant 0 : index
    %get3A_10 = arith.constant 0 : index
    %get3A_11 = vector.load %arg6[%get3A_9, %get3A_10] : memref<128x1xf32, #tpu.memory_space<vmem>>, vector<128x1xf32>
    %dot_general3A_12 = arith.constant dense<0.000000e+00> : vector<129x1xf32>
    %dot_general3A_13 = tpu.matmul %get3A_8, %get3A_11, %dot_general3A_12 {dimension_numbers = #tpu.dot_dimension_numbers<[1], [0], [0], [1], [0, 0, 1, 1], [], []>, transpose_lhs_hint = false} : vector<129x128xf32>, vector<128x1xf32>, vector<129x1xf32> -> vector<129x1xf32>
    %get3A_14 = arith.constant 0 : index
    %get3A_15 = arith.constant 0 : index
    %get3A_16 = vector.load %arg1[%get3A_14, %get3A_15] : memref<2048x128xf32, #tpu.memory_space<vmem>>, vector<2048x128xf32>
    %dot_general3A_17 = arith.constant dense<0.000000e+00> : vector<2048x1xf32>
    %dot_general3A_18 = tpu.matmul %get3A_16, %dot_general3A_5, %dot_general3A_17 {dimension_numbers = #tpu.dot_dimension_numbers<[1], [0], [0], [1], [0, 0, 1, 1], [], []>, transpose_lhs_hint = false} : vector<2048x128xf32>, vector<128x1xf32>, vector<2048x1xf32> -> vector<2048x1xf32>
    %squeeze3A = vector.shape_cast %dot_general3A_18 : vector<2048x1xf32> to vector<2048xf32>
    %swap3A = arith.constant 0 : index
    %swap3A_19 = vector.load %arg11[%swap3A] : memref<2048xf32, #tpu.memory_space<vmem>>, vector<2048xf32>
    tpu.vector_store %arg11[%swap3A], %squeeze3A {strides = array<i32>} : memref<2048xf32, #tpu.memory_space<vmem>>, vector<2048xf32>,
    %get3A_20 = arith.constant 0 : index
    %get3A_21 = arith.constant 0 : index
    %get3A_22 = vector.load %arg2[%get3A_20, %get3A_21] : memref<129x2048xf32, #tpu.memory_space<vmem>>, vector<129x2048xf32>
    %dot_general3A_23 = arith.constant dense<0.000000e+00> : vector<1x2048xf32>
    %dot_general3A_24 = tpu.matmul %dot_general3A_13, %get3A_22, %dot_general3A_23 {dimension_numbers = #tpu.dot_dimension_numbers<[0], [0], [1], [1], [0, 1, 1, 1], [], []>, transpose_lhs_hint = false} : vector<129x1xf32>, vector<129x2048xf32>, vector<1x2048xf32> -> vector<1x2048xf32>
    %squeeze3A_25 = vector.shape_cast %dot_general3A_24 : vector<1x2048xf32> to vector<2048xf32>
    %swap3A_26 = arith.constant 0 : index
    %swap3A_27 = vector.load %arg12[%swap3A_26] : memref<2048xf32, #tpu.memory_space<vmem>>, vector<2048xf32>
    tpu.vector_store %arg12[%swap3A_26], %squeeze3A_25 {strides = array<i32>} : memref<2048xf32, #tpu.memory_space<vmem>>, vector<2048xf32>,
    %eq3A = arith.constant 0 : i32
    %eq3A_28 = arith.cmpi eq, %arg0, %eq3A : i32
    %convert_element_type3A = arith.extui %eq3A_28 : i1 to i32
    %cond3A = arith.constant 0 : i32
    %cond3A_29 = arith.cmpi ne, %convert_element_type3A, %cond3A : i32
    scf.if %cond3A_29 {
      %get3A_30 = arith.constant 0 : index
      %get3A_31 = arith.constant 0 : index
      %get3A_32 = vector.load %arg7[%get3A_30, %get3A_31] : memref<1x128xf32, #tpu.memory_space<vmem>>, vector<1x128xf32>
      %get3A_33 = arith.constant 0 : index
      %get3A_34 = arith.constant 0 : index
      %get3A_35 = vector.load %arg4[%get3A_33, %get3A_34] : memref<128x1xf32, #tpu.memory_space<vmem>>, vector<128x1xf32>
      %dot_general3A_36 = arith.constant dense<0.000000e+00> : vector<1x1xf32>
      %dot_general3A_37 = tpu.matmul %get3A_32, %get3A_35, %dot_general3A_36 {dimension_numbers = #tpu.dot_dimension_numbers<[1], [0], [0], [1], [0, 0, 1, 1], [], []>, transpose_lhs_hint = false} : vector<1x128xf32>, vector<128x1xf32>, vector<1x1xf32> -> vector<1x1xf32>
      %get3A_38 = arith.constant 0 : index
      %get3A_39 = arith.constant 0 : index
      %get3A_40 = vector.load %arg8[%get3A_38, %get3A_39] : memref<1x1xf32, #tpu.memory_space<vmem>>, vector<1x1xf32>
      %add3A = arith.addf %dot_general3A_37, %get3A_40 : vector<1x1xf32>
      %swap3A_41 = arith.constant 0 : index
      %swap3A_42 = arith.constant 0 : index
      %swap3A_43 = vector.load %arg13[%swap3A_41, %swap3A_42] : memref<1x1xf32, #tpu.memory_space<vmem>>, vector<1x1xf32>
      tpu.vector_store %arg13[%swap3A_41, %swap3A_42], %add3A {strides = array<i32>} : memref<1x1xf32, #tpu.memory_space<vmem>>, vector<1x1xf32>,
      %get3A_44 = arith.constant 0 : index
      %get3A_45 = arith.constant 0 : index
      %get3A_46 = vector.load %arg9[%get3A_44, %get3A_45] : memref<1x128xf32, #tpu.memory_space<vmem>>, vector<1x128xf32>
      %get3A_47 = arith.constant 0 : index
      %get3A_48 = arith.constant 0 : index
      %get3A_49 = vector.load %arg6[%get3A_47, %get3A_48] : memref<128x1xf32, #tpu.memory_space<vmem>>, vector<128x1xf32>
      %dot_general3A_50 = arith.constant dense<0.000000e+00> : vector<1x1xf32>
      %dot_general3A_51 = tpu.matmul %get3A_46, %get3A_49, %dot_general3A_50 {dimension_numbers = #tpu.dot_dimension_numbers<[1], [0], [0], [1], [0, 0, 1, 1], [], []>, transpose_lhs_hint = false} : vector<1x128xf32>, vector<128x1xf32>, vector<1x1xf32> -> vector<1x1xf32>
      %get3A_52 = arith.constant 0 : index
      %get3A_53 = arith.constant 0 : index
      %get3A_54 = vector.load %arg10[%get3A_52, %get3A_53] : memref<1x1xf32, #tpu.memory_space<vmem>>, vector<1x1xf32>
      %add3A_55 = arith.addf %dot_general3A_51, %get3A_54 : vector<1x1xf32>
      %swap3A_56 = arith.constant 0 : index
      %swap3A_57 = arith.constant 0 : index
      %swap3A_58 = vector.load %arg14[%swap3A_56, %swap3A_57] : memref<1x1xf32, #tpu.memory_space<vmem>>, vector<1x1xf32>
      tpu.vector_store %arg14[%swap3A_56, %swap3A_57], %add3A_55 {strides = array<i32>} : memref<1x1xf32, #tpu.memory_space<vmem>>, vector<1x1xf32>,
    } else {
    }
    return
  }
  func.func @transform_0(%arg0: i32) -> (i32, i32) {
    %c0_i32 = arith.constant 0 : i32
    %c0_i32_0 = arith.constant 0 : i32
    return %arg0, %c0_i32 : i32, i32
  }
  func.func @transform_1(%arg0: i32) -> (i32, i32) {
    %c0_i32 = arith.constant 0 : i32
    %c0_i32_0 = arith.constant 0 : i32
    return %c0_i32, %arg0 : i32, i32
  }
  func.func @transform_2(%arg0: i32) -> (i32, i32) {
    %c0_i32 = arith.constant 0 : i32
    %c0_i32_0 = arith.constant 0 : i32
    %c0_i32_1 = arith.constant 0 : i32
    return %c0_i32, %c0_i32_0 : i32, i32
  }
  func.func @transform_3(%arg0: i32) -> (i32, i32) {
    %c0_i32 = arith.constant 0 : i32
    %c0_i32_0 = arith.constant 0 : i32
    %c0_i32_1 = arith.constant 0 : i32
    return %c0_i32, %c0_i32_0 : i32, i32
  }
  func.func @transform_4(%arg0: i32) -> (i32, i32) {
    %c0_i32 = arith.constant 0 : i32
    %c0_i32_0 = arith.constant 0 : i32
    %c0_i32_1 = arith.constant 0 : i32
    return %c0_i32, %c0_i32_0 : i32, i32
  }
  func.func @transform_5(%arg0: i32) -> (i32, i32) {
    %c0_i32 = arith.constant 0 : i32
    %c0_i32_0 = arith.constant 0 : i32
    %c0_i32_1 = arith.constant 0 : i32
    return %c0_i32, %c0_i32_0 : i32, i32
  }
  func.func @transform_6(%arg0: i32) -> (i32, i32) {
    %c0_i32 = arith.constant 0 : i32
    %c0_i32_0 = arith.constant 0 : i32
    %c0_i32_1 = arith.constant 0 : i32
    return %c0_i32, %c0_i32_0 : i32, i32
  }
  func.func @transform_7(%arg0: i32) -> (i32, i32) {
    %c0_i32 = arith.constant 0 : i32
    %c0_i32_0 = arith.constant 0 : i32
    %c0_i32_1 = arith.constant 0 : i32
    return %c0_i32, %c0_i32_0 : i32, i32
  }
  func.func @transform_8(%arg0: i32) -> (i32, i32) {
    %c0_i32 = arith.constant 0 : i32
    %c0_i32_0 = arith.constant 0 : i32
    %c0_i32_1 = arith.constant 0 : i32
    return %c0_i32, %c0_i32_0 : i32, i32
  }
  func.func @transform_9(%arg0: i32) -> (i32, i32) {
    %c0_i32 = arith.constant 0 : i32
    %c0_i32_0 = arith.constant 0 : i32
    %c0_i32_1 = arith.constant 0 : i32
    return %c0_i32, %c0_i32_0 : i32, i32
  }
  func.func @transform_10(%arg0: i32) -> i32 {
    %c0_i32 = arith.constant 0 : i32
    return %arg0 : i32
  }
  func.func @transform_11(%arg0: i32) -> i32 {
    %c0_i32 = arith.constant 0 : i32
    return %arg0 : i32
  }
  func.func @transform_12(%arg0: i32) -> (i32, i32) {
    %c0_i32 = arith.constant 0 : i32
    %c0_i32_0 = arith.constant 0 : i32
    %c0_i32_1 = arith.constant 0 : i32
    return %c0_i32, %c0_i32_0 : i32, i32
  }
  func.func @transform_13(%arg0: i32) -> (i32, i32) {
    %c0_i32 = arith.constant 0 : i32
    %c0_i32_0 = arith.constant 0 : i32
    %c0_i32_1 = arith.constant 0 : i32
    return %c0_i32, %c0_i32_0 : i32, i32
  }
}

</mosaic_0001>

<sc_bundles>
// kernel: kernel.4.cloned.1.call-start
scs
__scs_entry_jumppad:
0x0: {  	(pc) =	sbr.rel $0x88, $3  }
0x1: {  	(tag) =	ssettag $0x0;
	lr =	simm.s32 $0x1  }
0x2: {  	[smem:$0x3F96] =	sst lr;
	_ =	strace $0xD0000000  }
0x3: {  	_ = 	snop  }
0x4: {  	_ = 	snop  }
0x5: {  	_ = 	snop  }
0x6: {  	_ = 	snop  }
0x7: {  	_ = 	snop  }
__scs_overlays_trampoline_lowered:
0x8: {  	[smem:$0x3FA5] =	sst s0  }
0x9: {  	[smem:$0x3FA6] =	sst s1  }
0xa: {  	[smem:$0x3FA7] =	sst s2  }
0xb: {  	[smem:$0x3FA8] =	sst s3  }
0xc: {  	[smem:$0x3FA9] =	sst s4  }
0xd: {  	[smem:$0x3FAA] =	sst s5  }
0xe: {  	[smem:$0x3FAB] =	sst s6  }
0xf: {  	[smem:$0x3FAC] =	sst s7  }
0x10: {  	[smem:$0x3FAD] =	sst s8  }
0x11: {  	[smem:$0x3FAE] =	sst s9;
	s0 =	simm.s32 @!p0 $0x0  }
0x12: {  	s1 =	sld [smem:$0x3F94];
	s0 =	simm.s32 @p0 $0x1  }
0x13: {  	[smem:$0x3FAF] =	sst s0;
	s0 =	simm.s32 @!p1 $0x0  }
0x14: {  	s2 =	sld [smem:$0x3F93];
	s0 =	simm.s32 @p1 $0x1  }
0x15: {  	[smem:$0x3FB0] =	sst s0;
	s0 =	simm.s32 @!p2 $0x0  }
0x16: {  	s3 =	sld [smem:$0x3FDB];
	s0 =	simm.s32 @p2 $0x1  }
0x17: {  	s4 =	simm.s32 $0x1BF5;
	[smem:$0x3FB2] =	sst s0  }
0x18: {  	s0 =	sld [smem:$0x3F95];
	_ =	swait.ge [sflag:s4], $0x0  }
0x19: {  	s7 =	sld [smem:$0x3F96]  }
0x1a: {  	s8 =	sadd.s32 $0xFFFFE003, lr  }
0x1b: {  	s9 =	sadd.s32 $0xFFFFFEF7, lr;
	s5 =	simm.s32 $0xFFFFFFFF;
	p2 =	slt.u32 s8, $0xFFFFF086  }
0x1c: {  	p1 =	slt.u32 s9, $0xF7A;
	s5 =	simm.s32 @!p2 $0x0  }
0x1d: {  	s5 =	simm.s32 @p1 $0x1;
	p0 =	seq.s32 s7, s2  }
0x1e: {  	s7 =	smul.u32 @!p0 $0xF7A, s2;
	p2 =	seq.s32 @!p0 s5, $0x0  }
0x1f: {  	s9 =	smul.u32 $0xF7A, s1;
	s8 =	simm.s32 @!p0 $0x1BF5;
	p2 =	por !p2, p0  }
0x20: {  	[sflag:s8] =	ssyncset.s32 @!p0 $0xFFFFF086;
	s6 =	sadd.s32 @!p0 s3, s7;
	s7 =	simm.s32 @!p0 $0x108  }
0x21: {  	s3 =	sadd.s32 s3, s9;
	s6 =	sadd.s32 @!p0 $0x88, s6;
	s7 =	simm.s32 @p2 $0x1082  }
0x22: {  	[simem:s7], [sflag:s8] =	dma.local @!p0 [hbm:s6], $0xF7A  }
0x23: {  	s9 =	sor.u32 $0xD0000000, s2;
	s6 =	simm.s32 $0x108;
	_ =	swait.ge @!p0 [sflag:s8], $0x0  }
0x24: {  	s3 =	sadd.s32 $0x88, s3;
	s6 =	simm.s32 @!p1 $0x1082;
	[sflag:s4] =	ssyncset.s32 $0xFFFFF086  }
0x25: {  	[simem:s6], [sflag:s4] =	dma.local [hbm:s3], $0xF7A  }
0x26: {  	[smem:$0x3F96] =	sst s1;
	(tag) =	ssettag s2;
	_ =	strace s9  }
0x27: {  	s1 =	sld [smem:$0x3FA6]  }
0x28: {  	s2 =	sld [smem:$0x3FA7]  }
0x29: {  	s4 =	sld [smem:$0x3FA9]  }
0x2a: {  	p0 =	seq.s32 s5, $0x0;
	s5 =	sld [smem:$0x3FAA]  }
0x2b: {  	s6 =	sld [smem:$0x3FAB]  }
0x2c: {  	s7 =	sld [smem:$0x3FAC]  }
0x2d: {  	s3 =	simm.s32 $0x108;
	s8 =	sld [smem:$0x3FAD]  }
0x2e: {  	s3 =	simm.s32 @!p0 $0x1082;
	s9 =	sld [smem:$0x3FAE]  }
0x2f: {  	lr =	sadd.s32 s0, s3;
	s0 =	sld [smem:$0x3FA5]  }
0x30: {  	s3 =	sld [smem:$0x3FA8]  }
0x31: {  	[smem:$0x3FB1] =	sst s10  }
0x32: {  	s10 =	sld [smem:$0x3FAF];
	_ =	sdelay $0x3  }
0x33: {  	p0 =	seq.s32 s10, $0x1;
	s10 =	sld [smem:$0x3FB1];
	_ =	sdelay $0x3  }
0x34: {  	[smem:$0x3FB1] =	sst s10  }
0x35: {  	s10 =	sld [smem:$0x3FB0];
	_ =	sdelay $0x3  }
0x36: {  	p1 =	seq.s32 s10, $0x1;
	s10 =	sld [smem:$0x3FB1];
	_ =	sdelay $0x3  }
0x37: {  	[smem:$0x3FB1] =	sst s10  }
0x38: {  	s10 =	sld [smem:$0x3FB2]  }
0x39: {  	_ = 	snop;
	(pc) =	sbr.ind lr, $3  }
0x3a: {  	_ = 	snop  }
0x3b: {  	_ = 	snop  }
0x3c: {  	p2 =	seq.s32 s10, $0x1;
	s10 =	sld [smem:$0x3FB1]  }
0x3d: {  	_ =	shalt  }
0x3e: {  	_ =	shalt  }
0x3f: {  	_ =	shalt  }
0x40: {  	_ =	shalt  }
0x41: {  	_ =	shalt  }
0x42: {  	_ =	shalt  }
0x43: {  	_ =	shalt  }
0x44: {  	_ =	shalt  }
0x45: {  	_ =	shalt  }
0x46: {  	_ =	shalt  }
0x47: {  	_ =	shalt  }
0x48: {  	_ =	shalt  }
0x49: {  	_ =	shalt  }
0x4a: {  	_ =	shalt  }
0x4b: {  	_ =	shalt  }
0x4c: {  	_ =	shalt  }
0x4d: {  	_ =	shalt  }
0x4e: {  	_ =	shalt  }
0x4f: {  	_ =	shalt  }
0x50: {  	_ =	shalt  }
0x51: {  	_ =	shalt  }
0x52: {  	_ =	shalt  }
0x53: {  	_ =	shalt  }
0x54: {  	_ =	shalt  }
0x55: {  	_ =	shalt  }
0x56: {  	_ =	shalt  }
0x57: {  	_ =	shalt  }
0x58: {  	_ =	shalt  }
0x59: {  	_ =	shalt  }
0x5a: {  	_ =	shalt  }
0x5b: {  	_ =	shalt  }
0x5c: {  	_ =	shalt  }
0x5d: {  	_ =	shalt  }
0x5e: {  	_ =	shalt  }
0x5f: {  	_ =	shalt  }
0x60: {  	_ =	shalt  }
0x61: {  	_ =	shalt  }
0x62: {  	_ =	shalt  }
0x63: {  	_ =	shalt  }
0x64: {  	_ =	shalt  }
0x65: {  	_ =	shalt  }
0x66: {  	_ =	shalt  }
0x67: {  	_ =	shalt  }
0x68: {  	_ =	shalt  }
0x69: {  	_ =	shalt  }
0x6a: {  	_ =	shalt  }
0x6b: {  	_ =	shalt  }
0x6c: {  	_ =	shalt  }
0x6d: {  	_ =	shalt  }
0x6e: {  	_ =	shalt  }
0x6f: {  	_ =	shalt  }
0x70: {  	_ =	shalt  }
0x71: {  	_ =	shalt  }
0x72: {  	_ =	shalt  }
0x73: {  	_ =	shalt  }
0x74: {  	_ =	shalt  }
0x75: {  	_ =	shalt  }
0x76: {  	_ =	shalt  }
0x77: {  	_ =	shalt  }
0x78: {  	_ =	shalt  }
0x79: {  	_ =	shalt  }
0x7a: {  	_ =	shalt  }
0x7b: {  	_ =	shalt  }
0x7c: {  	_ =	shalt  }
0x7d: {  	_ =	shalt  }
0x7e: {  	_ =	shalt  }
0x7f: {  	_ =	shalt  }
0x80: {  	_ =	shalt  }
0x81: {  	_ =	shalt  }
0x82: {  	_ =	shalt  }
0x83: {  	_ =	shalt  }
0x84: {  	_ =	shalt  }
0x85: {  	_ =	shalt  }
0x86: {  	_ =	shalt  }
0x87: {  	_ =	shalt  }
.Lfunc_end0:
.L_simem_size_0:
called_computation_lowered:
.L_overlay_start_0:
0x88: {  	s2 =	sld [smem:$0x3FD9]  }
0x89: {  	s3 =	sld [smem:$0x3FFE];
	_ =	sdelay $0x1  }
0x8a: {  	s1 =	srdreg.scid  }
0x8b: {  	s0 =	sand.u32 $0x1, s1  }
0x8c: {  	s17 =	sshll.u32 s0, $0xA;
	s2 =	sadd.s32 s3, s2  }
0x8d: {  	s2 =	sadd.s32 s2, s17  }
0x8e: {  	[smem:$0x3FBD] =	sst s2  }
0x8f: {  	_ = 	snop  }
0x90: {  	s2 =	sld [smem:$0x3FC7];
	(tm) =	ssettm $0x1  }
0x91: {  	s18 =	sld [smem:$0x3FFB];
	_ =	sdelay $0x3  }
0x92: {  	_ =	strace s18  }
0x93: {  	s3 =	sld [smem:$0x3FFC];
	_ =	sdelay $0x3  }
0x94: {  	_ =	strace s3  }
0x95: {  	s3 =	sld [smem:$0x3FFD];
	_ =	sdelay $0x3  }
0x96: {  	_ =	strace s3  }
0x97: {  	_ =	strace $0x8FFFFFFF  }
0x98: {  	s19 =	sld [smem:$0x3FDB];
	_ =	sdelay $0x1  }
0x99: {  	s4 =	simm.s32 $_scs_section_size  }
0x9a: {  	s5 =	simm.s32 $_size__tile_overlayer_lowered;
	s6 =	simm.s32 $_tile_overlayer_lowered  }
0x9b: {  	s22 =	simm.s32 $0x1BFF;
	s21 =	sshll.u32 s6, $0x1;
	s3 =	sadd.s32 s4, s19  }
0x9c: {  	s7 =	simm.s32 $0x0;
	s20 =	sshll.u32 s5, $0x1;
	s5 =	sadd.s32 s21, s3  }
0x9d: {  	[timem:s7], [sflag:s22] =	dma.local [hbm:s5], s20  }
0x9e: {  	_ =	swait.ge [sflag:s22], s20  }
0x9f: {  	s4 =	ssub.s32 $0x0, s20;
	[sflag:s22] =	ssyncset.done $0x0  }
0xa0: {  	[sflag:s22] =	ssyncadd.s32 s4;
	_ =	sdelay $0x1  }
0xa1: {  	s23 =	simm.s32 $0x1B8B  }
0xa2: {  	_ =	swait.ge [sflag:s23], $0x1  }
0xa3: {  	[sflag:s23] =	ssyncset.done $0x0  }
0xa4: {  	s25 =	simm.s32 $0x1B8E;
	s24 =	sld [smem:$0x3FFE];
	[sflag:s23] =	ssyncadd.s32 $0xFFFFFFFF  }
0xa5: {  	s26 =	simm.s32 $execute0_lowered;
	[smem:$0x3FD2] =	sst s25  }
0xa6: {  	s5 =	sshll.u32 s26, $0x1;
	_ =	strace $0x80000046;
	[dreg:$0x1] =	wrdreg $0xFFFFFFFF  }
0xa7: {  	s28 =	simm.s32 $_size_execute0_lowered;
	s3 =	sadd.s32 s3, s5;
	[dreg:$0x0] =	wrdreg $0x0  }
0xa8: {  	s5 =	sshll.u32 s28, $0x1;
	[dreg:$0x2] =	wrdreg s3  }
0xa9: {  	[dreg:$0x3] =	wrdreg s5  }
0xaa: {  	[dreg:$0x4] =	wrdreg $0xC0  }
0xab: {  	_ =	task [dreg:s7], $0x5FFFF  }
0xac: {  	[dreg:$0x1] =	wrdreg $0xFFFFFFFF  }
0xad: {  	[dreg:$0x0] =	wrdreg $0x60  }
0xae: {  	[dreg:$0x2] =	wrdreg s2  }
0xaf: {  	[dreg:$0x3] =	wrdreg s24  }
0xb0: {  	[dreg:$0x4] =	wrdreg $0x0  }
0xb1: {  	[dreg:$0x5] =	wrdreg $0x2800  }
0xb2: {  	[dreg:$0x6] =	wrdreg $0x7800  }
0xb3: {  	[dreg:$0x7] =	wrdreg $0x5000  }
0xb4: {  	[dreg:$0x8] =	wrdreg $0x9  }
0xb5: {  	_ =	task.clear_ibuf [dreg:s7], $0x9FFFF;
	_ =	strace $0x90000046  }
0xb6: {  	s29 =	simm.s32 $0x9;
	_ =	strace $0x80000048  }
0xb7: {  	_ =	swait.ge [sflag:s29], $0x1  }
0xb8: {  	[sflag:s29] =	ssyncadd.s32 $0xFFFFFFFF  }
0xb9: {  	_ =	strace $0x90000048  }
0xba: {  	_ =	sfence  }
0xbb: {  	s30 =	sld [smem:$0x0];
	_ =	sdelay $0x2  }
0xbc: {  	s31 =	sshll.u32 s1, $0xD;
	s1 =	sshrl.u32 s1, $0x2  }
0xbd: {  	s3 =	sand.u32 $0x4000, s31;
	s1 =	sadd.s32 s1, s30  }
0xbe: {  	s0 =	sor.u32 s3, s0;
	s1 =	sshll.u32 s1, $0x11  }
0xbf: {  	s0 =	sor.u32 s1, s0  }
0xc0: {  	s0 =	sadd.s32 $0x8F2B, s0  }
0xc1: {  	[sflag:s0] =	ssyncadd.remote.s32 $0x1  }
0xc2: {  	_ =	sfence.sel $0xFFFF  }
0xc3: {  	[dreg:$0x0] =	wrdreg $0xFFFFFFFF;
	(pc) =	sbr.abs _section_cstart, $3  }
0xc4: {  	[dreg:$0x1] =	wrdreg $0xFFFFFFFF  }
0xc5: {  	_ =	task.clear_ibuf [dreg:s7], $0x2FFFF;
	_ =	strace $0x9FFFFFFF  }
0xc6: {  	(tm) =	ssettm $0x7FFFFFFF  }
0xc7: {  	_ =	shalt  }
tec
execute0_lowered:
.L_overlay_start_1:
0x0: {  	(tag) =	ssettag $0x1  }
0x1: {  	s0 =	rddreg [dreg:$0x0]  }
0x2: {  	s4 =	rddreg [dreg:$0x1]  }
0x3: {  	s1 =	rddreg [dreg:$0x2]  }
0x4: {  	s2 =	rddreg [dreg:$0x3]  }
0x5: {  	s3 =	rddreg [dreg:$0x4]  }
0x6: {  	s18 =	rddreg [dreg:$0x5];
	s5 =	simm.s32 $0x0;
	s7 =	srdreg.scid  }
0x7: {  	s12 =	stileid.u32;
	s23 =	simm.s32 $0x80;
	s29 =	simm.s32 $0x11E00  }
0x8: {  	s30 =	simm.s32 $0x11D80;
	s28 =	simm.s32 $0xA700;
	s31 =	simm.s32 $0x0  }
0x9: {  	[smem:$0x7FF] =	sst s5;
	s5 =	sadd.s32 $0x1E00, s4;
	s6 =	sadd.s32 $0x2400, s4  }
0xa: {  	s17 =	sadd.s32 $0x3000, s4;
	s7 =	sand.u32 $0x1, s7;
	s8 =	smul.u32 $0x9C, s12  }
0xb: {  	s4 =	sadd.s32 $0x2A00, s4;
	s10 =	smin.u32 s12, $0x4;
	s15 =	smul.u32 $0x280, s12  }
0xc: {  	p0 =	slt.u32 s12, $0x4;
	s12 =	simm.s32 $0x9D;
	_ =	strace $0x80000047  }
0xd: {  	s9 =	ssub.s32 $0x2, s7;
	s12 =	simm.s32 @!p0 $0x9C;
	p0 =	seq.s32 s7, $0x0  }
0xe: {  	s11 =	sshrl.u32 s9, $0x1;
	s8 =	sadd.s32 s10, s8;
	s24 =	sshrl.u32 s15, $0x3  }
0xf: {  	s4 =	smov.u32 @p0 s17;
	s6 =	smov.u32 @p0 s5;
	s13 =	smin.u32 s8, $0x927  }
0x10: {  	s16 =	ssub.s32 s9, s11;
	s11 =	sadd.s32 s15, s1;
	s17 =	sadd.s32 s4, s24  }
0x11: {  	s10 =	ssub.s32 s8, s13;
	s13 =	sshll.u32 s13, $0x5;
	s16 =	smax.u32 s16, $0x1  }
0x12: {  	s8 =	sadd.s32 s12, s10;
	s9 =	sadd.s32 s0, s13;
	s12 =	sadd.s32 s15, s2  }
0x13: {  	s13 =	sadd.s32 s15, s3;
	s14 =	sadd.s32 $0x18, s10;
	s15 =	sadd.s32 s15, s18  }
0x14: {  	s25 =	sshll.u32 s10, $0x9;
	s18 =	sadd.s32 s6, s24;
	s0 =	sadd.s32 $0x10, s9  }
0x15: {  	s6 =	simm.s32 $0x2;
	s26 =	sshra.s32 s25, $0x2;
	[dreg:$0x7] =	wrdreg s0  }
0x16: {  	s19 =	sadd.s32 $0xA00, s26;
	s5 =	sadd.s32 $0x5880, s26;
	s21 =	sadd.s32 $0xCF00, s26  }
0x17: {  	v0 =	vimm.f32 $0.0e+00;
	v1 =	vimm.f32 $1.000000000e+00;
	s22 =	sadd.s32 $0xA40, s26;
	s26 =	simm.s32 $0x3;
	s0 =	simm.s32 $0x1  }
.LBB2_1:
0x18: {  	[tilespmem:$0x11E00] =	vst v0  }
0x19: {  	[tilespmem:$0x11E10] =	vst v0  }
0x1a: {  	[tilespmem:$0x11E20] =	vst v0  }
0x1b: {  	[tilespmem:$0x11E30] =	vst v0  }
0x1c: {  	[tilespmem:$0x11E40] =	vst v0  }
0x1d: {  	[tilespmem:$0x11E50] =	vst v0  }
0x1e: {  	[tilespmem:$0x11E60] =	vst v0  }
0x1f: {  	[tilespmem:$0x11E70] =	vst v0  }
0x20: {  	[tilespmem:$0x11E80] =	vst v0  }
0x21: {  	[tilespmem:$0x11E90] =	vst v0  }
0x22: {  	[tilespmem:$0x11EA0] =	vst v0  }
0x23: {  	[tilespmem:$0x11EB0] =	vst v0  }
0x24: {  	[tilespmem:$0x11EC0] =	vst v0  }
0x25: {  	[tilespmem:$0x11ED0] =	vst v0  }
0x26: {  	[tilespmem:$0x11EE0] =	vst v0  }
0x27: {  	[tilespmem:$0x11EF0] =	vst v0  }
0x28: {  	[tilespmem:$0x11F00] =	vst v0  }
0x29: {  	[tilespmem:$0x11F10] =	vst v0  }
0x2a: {  	[tilespmem:$0x11F20] =	vst v0  }
0x2b: {  	[tilespmem:$0x11F30] =	vst v0  }
0x2c: {  	[tilespmem:$0x11F40] =	vst v0  }
0x2d: {  	[tilespmem:$0x11F50] =	vst v0  }
0x2e: {  	[tilespmem:$0x11F60] =	vst v0  }
0x2f: {  	[tilespmem:$0x11F70] =	vst v0  }
0x30: {  	[tilespmem:$0x11F80] =	vst v0  }
0x31: {  	[tilespmem:$0x11F90] =	vst v0  }
0x32: {  	[tilespmem:$0x11FA0] =	vst v0  }
0x33: {  	[tilespmem:$0x11FB0] =	vst v0  }
0x34: {  	[tilespmem:$0x11FC0] =	vst v0  }
0x35: {  	[tilespmem:$0x11FD0] =	vst v0  }
0x36: {  	[tilespmem:$0x11FE0] =	vst v0  }
0x37: {  	[tilespmem:$0x11FF0] =	vst v0  }
0x38: {  	[tilespmem:$0x12000] =	vst v0  }
0x39: {  	[tilespmem:$0x12010] =	vst v0  }
0x3a: {  	[tilespmem:$0x12020] =	vst v0  }
0x3b: {  	[tilespmem:$0x12030] =	vst v0  }
0x3c: {  	[tilespmem:$0x12040] =	vst v0  }
0x3d: {  	[tilespmem:$0x12050] =	vst v0  }
0x3e: {  	[tilespmem:$0x12060] =	vst v0  }
0x3f: {  	[tilespmem:$0x12070] =	vst v0  }
0x40: {  	[tilespmem:$0x11D80] =	vst v1  }
0x41: {  	[tilespmem:$0x11D90] =	vst v1  }
0x42: {  	[tilespmem:$0x11DA0] =	vst v1  }
0x43: {  	[tilespmem:$0x11DB0] =	vst v1  }
0x44: {  	[tilespmem:$0x11DC0] =	vst v1  }
0x45: {  	[tilespmem:$0x11DD0] =	vst v1  }
0x46: {  	[tilespmem:$0x11DE0] =	vst v1  }
0x47: {  	[tilespmem:$0x11DF0] =	vst v1;
	s7 =	simm.s32 $0x100;
	s4 =	simm.s32 $0xA00  }
0x48: {  	[tilespmem:s4], [sflag:$0x3] =	stream.strided.gather [hbm4b:s9+s23], $0x4E80, s7, s23, $0x38;
	[tilespmem:$0x12800] =	vst v63  }
0x49: {  	_ =	swait.ge [sflag:s26], $0x4E80  }
0x4a: {  	[sflag:s26] =	ssyncset.done $0x0  }
0x4b: {  	s20 =	simm.s32 $0x5880;
	s25 =	rddreg [dreg:$0x7];
	[sflag:s26] =	ssyncadd.s32 $0xFFFFB180  }
0x4c: {  	[tilespmem:s20], [sflag:$0x3] =	stream.strided.gather [hbm4b:s25+s23], $0x4E80, s7, s23, $0x38;
	[tilespmem:$0x12800] =	vst v63  }
0x4d: {  	_ =	swait.ge [sflag:s26], $0x4E80  }
0x4e: {  	[sflag:s26] =	ssyncset.done $0x0  }
0x4f: {  	[sflag:s26] =	ssyncadd.s32 $0xFFFFB180  }
0x50: {  	[spmem:s11] =	stream.linear.scatter [tilespmem:s29], [sflag:$0x3], $0x280, $0x38;
	[tilespmem:$0x12800] =	vst v63  }
0x51: {  	_ =	swait.ge [sflag:s26], $0x280  }
0x52: {  	[sflag:s26] =	ssyncset.done $0x0  }
0x53: {  	[sflag:s26] =	ssyncadd.s32 $0xFFFFFD80  }
0x54: {  	[spmem:s12] =	stream.linear.scatter [tilespmem:s29], [sflag:$0x3], $0x280, $0x38;
	[tilespmem:$0x12800] =	vst v63  }
0x55: {  	_ =	swait.ge [sflag:s26], $0x280  }
0x56: {  	[sflag:s26] =	ssyncset.done $0x0  }
0x57: {  	[sflag:s26] =	ssyncadd.s32 $0xFFFFFD80  }
0x58: {  	[spmem:s13] =	stream.linear.scatter [tilespmem:s29], [sflag:$0x3], $0x280, $0x38;
	[tilespmem:$0x12800] =	vst v63  }
0x59: {  	_ =	swait.ge [sflag:s26], $0x280  }
0x5a: {  	[sflag:s26] =	ssyncset.done $0x0  }
0x5b: {  	[sflag:s26] =	ssyncadd.s32 $0xFFFFFD80  }
0x5c: {  	s4 =	sadd.s32 $0x1, s10;
	[bflag:$0x0] =	sbarrier.arrive $0xFFFF  }
0x5d: {  	[spmem:s1] =	stream.indirect.scatter.add.f32 [tilespmem:s30], [sflag:$0x1], $0x1, s19, s23, $0xb8;
	[tilespmem:$0x12800] =	vst v63  }
0x5e: {  	p0 =	slt.u32 s10, s14;
	p1 =	slt.u32 s4, s8  }
0x5f: {  	[spmem:s2] =	stream.indirect.scatter.add.f32 [tilespmem:s30], [sflag:$0x1], $0x1, s5, s23, $0xb8;
	[tilespmem:$0x12800] =	vst v63  }
.Ltmp0:
0x60: {  	s7 =	simm.s32 @!p0 $0x1;
	(pc) =	sbr.rel @!p1 .LBB2_3-.Ltmp0, $4  }
0x61: {  	_ =	swait.ge @!p0 [sflag:s7], $0x80  }
0x62: {  	[sflag:s7] =	ssyncset.done @!p0 $0x0  }
0x63: {  	[sflag:s7] =	ssyncadd.s32 @!p0 $0xFFFFFF80  }
0x64: {  	s20 =	sadd.s32 $0x80, s5;
	s25 =	smov.u32 s19;
	_ =	swait.ge @!p0 [sflag:s7], $0x80  }
.LBB2_2:
0x65: {  	[sflag:s7] =	ssyncset.done @!p0 $0x0  }
0x66: {  	s25 =	sadd.s32 $0x80, s25;
	s24 =	smov.u32 s4;
	s4 =	sadd.s32 $0x1, s4  }
0x67: {  	p1 =	slt.u32 s4, s8;
	[sflag:s7] =	ssyncadd.s32 @!p0 $0xFFFFFF80  }
0x68: {  	[spmem:s1] =	stream.indirect.scatter.add.f32 [tilespmem:s30], [sflag:$0x1], $0x1, s25, s23, $0xb8;
	[tilespmem:$0x12800] =	vst v63  }
0x69: {  	p0 =	slt.u32 s24, s14  }
0x6a: {  	[spmem:s2] =	stream.indirect.scatter.add.f32 [tilespmem:s30], [sflag:$0x1], $0x1, s20, s23, $0xb8;
	[tilespmem:$0x12800] =	vst v63  }
.Ltmp1:
0x6b: {  	s7 =	simm.s32 @!p0 $0x1;
	(pc) =	sbr.rel @p1 .LBB2_2-.Ltmp1, $4  }
0x6c: {  	_ =	swait.ge @!p0 [sflag:s7], $0x80  }
0x6d: {  	[sflag:s7] =	ssyncset.done @!p0 $0x0  }
0x6e: {  	[sflag:s7] =	ssyncadd.s32 @!p0 $0xFFFFFF80  }
0x6f: {  	s20 =	sadd.s32 $0x80, s20;
	_ =	swait.ge @!p0 [sflag:s7], $0x80  }
.LBB2_3:
0x70: {  	[sflag:s7] =	ssyncset.done @!p0 $0x0  }
0x71: {  	s4 =	simm.s32 $0x0;
	s25 =	simm.s32 $0x12580;
	[sflag:s7] =	ssyncadd.s32 @!p0 $0xFFFFFF80  }
0x72: {  	[tilespmem:s25], [sflag:$0x2] =	stream.linear.gather [hbm4b:s18+s4], $0x280, $0x38;
	[tilespmem:$0x12800] =	vst v63  }
0x73: {  	_ =	swait.ge [sflag:s0], $0x80  }
0x74: {  	[sflag:s0] =	ssyncset.done $0x0  }
0x75: {  	[sflag:s0] =	ssyncadd.s32 $0xFFFFFF80  }
0x76: {  	_ =	swait.ge [sflag:s0], $0x80  }
0x77: {  	s4 =	simm.s32 $0x17;
	[sflag:s0] =	ssyncset.done $0x0  }
.LBB2_4:
0x78: {  	p0 =	sne.s32 s4, $0x1;
	s4 =	sadd.s32 $0xFFFFFFFF, s4;
	[sflag:s0] =	ssyncadd.s32 $0xFFFFFF80  }
.Ltmp2:
0x79: {  	_ =	swait.ge [sflag:s0], $0x80;
	(pc) =	sbr.rel @p0 .LBB2_4-.Ltmp2, $4  }
0x7a: {  	[sflag:s0] =	ssyncset.done $0x0  }
0x7b: {  	[sflag:s0] =	ssyncadd.s32 $0xFFFFFF80  }
0x7c: {  	_ =	swait.ge [sflag:s0], $0x80  }
0x7d: {  	[sflag:s0] =	ssyncset.done $0x0  }
0x7e: {  	[sflag:s0] =	ssyncadd.s32 $0xFFFFFF80  }
0x7f: {  	[bflag:$0x0] =	sbarrier.arrive $0xFFFF  }
0x80: {  	[tilespmem:s29], [sflag:$0x3] =	stream.linear.gather [spmem:s11], $0x280, $0x38;
	[tilespmem:$0x12800] =	vst v63  }
0x81: {  	_ =	swait.ge [sflag:s26], $0x280  }
0x82: {  	[sflag:s26] =	ssyncset.done $0x0  }
0x83: {  	s4 =	simm.s32 $0x0;
	s25 =	simm.s32 $0x40;
	[sflag:s26] =	ssyncadd.s32 $0xFFFFFD80  }
.LBB2_6:
0x84: {  	p0 =	sne.s32 s25, $0x9C0;
	v2 =	vld [tilespmem:s4+$0x11E00];
	_ =	sdelay $0x4  }
0x85: {  	v3 =	vmul.f32 $6.250000000e-02, v2;
	_ =	sdelay $0x1  }
0x86: {  	v3 =	vmax.f32 v3, $1.000000000e+00  }
0x87: {  	(erf) = vrcp.f32 v3;
	_ =	sdelay $0x8  }
0x88: {  	v4 =	vpop (erf)  }
0x89: {  	v4 =	vmul.f32 v4, v2;
	_ =	sdelay $0x1  }
0x8a: {  	v3 =	vadd.f32 v4, v3;
	_ =	sdelay $0x1  }
0x8b: {  	v3 =	vmul.f32 $5.000000000e-01, v3;
	_ =	sdelay $0x1  }
0x8c: {  	(erf) = vrcp.f32 v3;
	_ =	sdelay $0x8  }
0x8d: {  	v4 =	vpop (erf)  }
0x8e: {  	v4 =	vmul.f32 v4, v2;
	_ =	sdelay $0x1  }
0x8f: {  	v3 =	vadd.f32 v4, v3;
	_ =	sdelay $0x1  }
0x90: {  	v3 =	vmul.f32 $5.000000000e-01, v3;
	_ =	sdelay $0x1  }
0x91: {  	(erf) = vrcp.f32 v3;
	_ =	sdelay $0x8  }
0x92: {  	v4 =	vpop (erf)  }
0x93: {  	v4 =	vmul.f32 v4, v2;
	_ =	sdelay $0x1  }
0x94: {  	v3 =	vadd.f32 v4, v3;
	_ =	sdelay $0x1  }
0x95: {  	v3 =	vmul.f32 $5.000000000e-01, v3;
	_ =	sdelay $0x1  }
0x96: {  	(erf) = vrcp.f32 v3;
	_ =	sdelay $0x8  }
0x97: {  	v4 =	vpop (erf)  }
0x98: {  	v4 =	vmul.f32 v4, v2;
	_ =	sdelay $0x1  }
0x99: {  	v3 =	vadd.f32 v4, v3;
	_ =	sdelay $0x1  }
0x9a: {  	v3 =	vmul.f32 $5.000000000e-01, v3;
	_ =	sdelay $0x1  }
0x9b: {  	(erf) = vrcp.f32 v3;
	_ =	sdelay $0x8  }
0x9c: {  	v4 =	vpop (erf)  }
0x9d: {  	v4 =	vmul.f32 v4, v2;
	_ =	sdelay $0x1  }
0x9e: {  	v3 =	vadd.f32 v4, v3;
	_ =	sdelay $0x1  }
0x9f: {  	v3 =	vmul.f32 $5.000000000e-01, v3;
	_ =	sdelay $0x1  }
0xa0: {  	(erf) = vrcp.f32 v3;
	_ =	sdelay $0x8  }
0xa1: {  	v4 =	vpop (erf)  }
0xa2: {  	v4 =	vmul.f32 v4, v2;
	_ =	sdelay $0x1  }
0xa3: {  	v3 =	vadd.f32 v4, v3;
	_ =	sdelay $0x1  }
0xa4: {  	v3 =	vmul.f32 $5.000000000e-01, v3;
	_ =	sdelay $0x1  }
0xa5: {  	(erf) = vrcp.f32 v3;
	_ =	sdelay $0x8  }
0xa6: {  	v4 =	vpop (erf)  }
0xa7: {  	v4 =	vmul.f32 v4, v2;
	_ =	sdelay $0x1  }
0xa8: {  	v3 =	vadd.f32 v4, v3;
	_ =	sdelay $0x1  }
0xa9: {  	v3 =	vmul.f32 $5.000000000e-01, v3;
	_ =	sdelay $0x1  }
0xaa: {  	(erf) = vrcp.f32 v3;
	_ =	sdelay $0x8  }
0xab: {  	v4 =	vpop (erf)  }
0xac: {  	v4 =	vmul.f32 v4, v2;
	_ =	sdelay $0x1  }
0xad: {  	v3 =	vadd.f32 v4, v3;
	_ =	sdelay $0x1  }
0xae: {  	v3 =	vmul.f32 $5.000000000e-01, v3;
	_ =	sdelay $0x1  }
0xaf: {  	(erf) = vrcp.f32 v3;
	_ =	sdelay $0x8  }
0xb0: {  	v4 =	vpop (erf)  }
0xb1: {  	v4 =	vmul.f32 v4, v2;
	_ =	sdelay $0x1  }
0xb2: {  	v3 =	vadd.f32 v4, v3;
	_ =	sdelay $0x1  }
0xb3: {  	v3 =	vmul.f32 $5.000000000e-01, v3;
	_ =	sdelay $0x1  }
0xb4: {  	(erf) = vrcp.f32 v3;
	_ =	sdelay $0x8  }
0xb5: {  	v4 =	vpop (erf)  }
0xb6: {  	v4 =	vmul.f32 v4, v2;
	_ =	sdelay $0x1  }
0xb7: {  	v3 =	vadd.f32 v4, v3;
	_ =	sdelay $0x1  }
0xb8: {  	v3 =	vmul.f32 $5.000000000e-01, v3;
	_ =	sdelay $0x1  }
0xb9: {  	(erf) = vrcp.f32 v3;
	_ =	sdelay $0x6  }
.Ltmp3:
0xba: {  	(pc) =	sbr.rel @p0 .LBB2_6-.Ltmp3, $4  }
0xbb: {  	_ = 	snop  }
0xbc: {  	vm0 =	vgt.f32 v2, $5.000000000e-01;
	v2 =	vpop (erf)  }
0xbd: {  	v2 =	vnsel vm0, $0x0, v2  }
0xbe: {  	[tilespmem:s4+$0x11E00] =	vst v2;
	s4 =	sshra.s32 s25, $0x2;
	s25 =	sadd.s32 $0x40, s25  }
0xbf: {  	v2 =	vld [tilespmem:s4+$0x11E00];
	_ =	sdelay $0x4  }
0xc0: {  	v3 =	vmul.f32 $6.250000000e-02, v2;
	_ =	sdelay $0x1  }
0xc1: {  	v3 =	vmax.f32 v3, $1.000000000e+00  }
0xc2: {  	(erf) = vrcp.f32 v3;
	_ =	sdelay $0x8  }
0xc3: {  	v4 =	vpop (erf)  }
0xc4: {  	v4 =	vmul.f32 v4, v2;
	_ =	sdelay $0x1  }
0xc5: {  	v3 =	vadd.f32 v4, v3;
	_ =	sdelay $0x1  }
0xc6: {  	v3 =	vmul.f32 $5.000000000e-01, v3;
	_ =	sdelay $0x1  }
0xc7: {  	(erf) = vrcp.f32 v3;
	_ =	sdelay $0x8  }
0xc8: {  	v4 =	vpop (erf)  }
0xc9: {  	v4 =	vmul.f32 v4, v2;
	_ =	sdelay $0x1  }
0xca: {  	v3 =	vadd.f32 v4, v3;
	_ =	sdelay $0x1  }
0xcb: {  	v3 =	vmul.f32 $5.000000000e-01, v3;
	_ =	sdelay $0x1  }
0xcc: {  	(erf) = vrcp.f32 v3;
	_ =	sdelay $0x8  }
0xcd: {  	v4 =	vpop (erf)  }
0xce: {  	v4 =	vmul.f32 v4, v2;
	_ =	sdelay $0x1  }
0xcf: {  	v3 =	vadd.f32 v4, v3;
	_ =	sdelay $0x1  }
0xd0: {  	v3 =	vmul.f32 $5.000000000e-01, v3;
	_ =	sdelay $0x1  }
0xd1: {  	(erf) = vrcp.f32 v3;
	_ =	sdelay $0x8  }
0xd2: {  	v4 =	vpop (erf)  }
0xd3: {  	v4 =	vmul.f32 v4, v2;
	_ =	sdelay $0x1  }
0xd4: {  	v3 =	vadd.f32 v4, v3;
	_ =	sdelay $0x1  }
0xd5: {  	v3 =	vmul.f32 $5.000000000e-01, v3;
	_ =	sdelay $0x1  }
0xd6: {  	(erf) = vrcp.f32 v3;
	_ =	sdelay $0x8  }
0xd7: {  	v4 =	vpop (erf)  }
0xd8: {  	v4 =	vmul.f32 v4, v2;
	_ =	sdelay $0x1  }
0xd9: {  	v3 =	vadd.f32 v4, v3;
	_ =	sdelay $0x1  }
0xda: {  	v3 =	vmul.f32 $5.000000000e-01, v3;
	_ =	sdelay $0x1  }
0xdb: {  	(erf) = vrcp.f32 v3;
	_ =	sdelay $0x8  }
0xdc: {  	v4 =	vpop (erf)  }
0xdd: {  	v4 =	vmul.f32 v4, v2;
	_ =	sdelay $0x1  }
0xde: {  	v3 =	vadd.f32 v4, v3;
	_ =	sdelay $0x1  }
0xdf: {  	v3 =	vmul.f32 $5.000000000e-01, v3;
	_ =	sdelay $0x1  }
0xe0: {  	(erf) = vrcp.f32 v3;
	_ =	sdelay $0x8  }
0xe1: {  	v4 =	vpop (erf)  }
0xe2: {  	v4 =	vmul.f32 v4, v2;
	_ =	sdelay $0x1  }
0xe3: {  	v3 =	vadd.f32 v4, v3;
	_ =	sdelay $0x1  }
0xe4: {  	v3 =	vmul.f32 $5.000000000e-01, v3;
	_ =	sdelay $0x1  }
0xe5: {  	(erf) = vrcp.f32 v3;
	_ =	sdelay $0x8  }
0xe6: {  	v4 =	vpop (erf)  }
0xe7: {  	v4 =	vmul.f32 v4, v2;
	_ =	sdelay $0x1  }
0xe8: {  	v3 =	vadd.f32 v4, v3;
	_ =	sdelay $0x1  }
0xe9: {  	v3 =	vmul.f32 $5.000000000e-01, v3;
	_ =	sdelay $0x1  }
0xea: {  	(erf) = vrcp.f32 v3;
	_ =	sdelay $0x8  }
0xeb: {  	v4 =	vpop (erf)  }
0xec: {  	v4 =	vmul.f32 v4, v2;
	_ =	sdelay $0x1  }
0xed: {  	v3 =	vadd.f32 v4, v3;
	_ =	sdelay $0x1  }
0xee: {  	v3 =	vmul.f32 $5.000000000e-01, v3;
	_ =	sdelay $0x1  }
0xef: {  	(erf) = vrcp.f32 v3;
	_ =	sdelay $0x8  }
0xf0: {  	v4 =	vpop (erf)  }
0xf1: {  	v4 =	vmul.f32 v4, v2;
	_ =	sdelay $0x1  }
0xf2: {  	v3 =	vadd.f32 v4, v3;
	_ =	sdelay $0x1  }
0xf3: {  	v3 =	vmul.f32 $5.000000000e-01, v3;
	_ =	sdelay $0x1  }
0xf4: {  	(erf) = vrcp.f32 v3;
	_ =	sdelay $0x8  }
0xf5: {  	vm0 =	vgt.f32 v2, $5.000000000e-01;
	v2 =	vpop (erf)  }
0xf6: {  	v2 =	vnsel vm0, $0x0, v2  }
0xf7: {  	[tilespmem:s4+$0x11E00] =	vst v2  }
0xf8: {  	_ =	swait.ge [sflag:s6], $0x280  }
0xf9: {  	[sflag:s6] =	ssyncset.done $0x0  }
0xfa: {  	s4 =	simm.s32 $0x0;
	[sflag:s6] =	ssyncadd.s32 $0xFFFFFD80  }
0xfb: {  	v2 =	vld [tilespmem:s4+$0x12580]  }
0xfc: {  	s7 =	simm.s32 $0x40;
	v3 =	vld [tilespmem:s4+$0x11E00]  }
.LBB2_8:
0xfd: {  	_ = 	snop  }
0xfe: {  	p0 =	sne.s32 s7, $0x9C0  }
.Ltmp4:
0xff: {  	_ = 	snop;
	(pc) =	sbr.rel @p0 .LBB2_8-.Ltmp4, $4  }
0x100: {  	_ = 	snop  }
0x101: {  	s20 =	sshra.s32 s7, $0x2;
	v4 =	vmul.f32 v3, v2  }
0x102: {  	v2 =	vld [tilespmem:s20+$0x12580]  }
0x103: {  	s7 =	sadd.s32 $0x40, s7;
	v3 =	vld [tilespmem:s20+$0x11E00];
	[tilespmem:s4+$0x12080] =	vst v4;
	s4 =	smov.u32 s20  }
0x104: {  	_ =	sdelay $0x3  }
0x105: {  	v2 =	vmul.f32 v3, v2;
	_ =	sdelay $0x1  }
0x106: {  	s24 =	simm.s32 $0x12080;
	[tilespmem:s4+$0x12080] =	vst v2  }
0x107: {  	[spmem:s15] =	stream.linear.scatter [tilespmem:s24], [sflag:$0x3], $0x280, $0x38;
	[tilespmem:$0x12800] =	vst v63  }
0x108: {  	_ =	swait.ge [sflag:s26], $0x280  }
0x109: {  	[sflag:s26] =	ssyncset.done $0x0  }
0x10a: {  	s25 =	simm.s32 $0x12300;
	[sflag:s26] =	ssyncadd.s32 $0xFFFFFD80  }
0x10b: {  	[tilespmem:s25], [sflag:$0x3] =	stream.linear.gather [spmem:s12], $0x280, $0x38;
	[tilespmem:$0x12800] =	vst v63  }
0x10c: {  	_ =	swait.ge [sflag:s26], $0x280  }
0x10d: {  	[sflag:s26] =	ssyncset.done $0x0  }
0x10e: {  	s4 =	simm.s32 $0x0;
	s25 =	simm.s32 $0x40;
	[sflag:s26] =	ssyncadd.s32 $0xFFFFFD80  }
.LBB2_10:
0x10f: {  	p0 =	sne.s32 s25, $0x9C0;
	v2 =	vld [tilespmem:s4+$0x12300];
	_ =	sdelay $0x4  }
0x110: {  	v3 =	vmul.f32 $6.250000000e-02, v2;
	_ =	sdelay $0x1  }
0x111: {  	v3 =	vmax.f32 v3, $1.000000000e+00  }
0x112: {  	(erf) = vrcp.f32 v3;
	_ =	sdelay $0x8  }
0x113: {  	v4 =	vpop (erf)  }
0x114: {  	v4 =	vmul.f32 v4, v2;
	_ =	sdelay $0x1  }
0x115: {  	v3 =	vadd.f32 v4, v3;
	_ =	sdelay $0x1  }
0x116: {  	v3 =	vmul.f32 $5.000000000e-01, v3;
	_ =	sdelay $0x1  }
0x117: {  	(erf) = vrcp.f32 v3;
	_ =	sdelay $0x8  }
0x118: {  	v4 =	vpop (erf)  }
0x119: {  	v4 =	vmul.f32 v4, v2;
	_ =	sdelay $0x1  }
0x11a: {  	v3 =	vadd.f32 v4, v3;
	_ =	sdelay $0x1  }
0x11b: {  	v3 =	vmul.f32 $5.000000000e-01, v3;
	_ =	sdelay $0x1  }
0x11c: {  	(erf) = vrcp.f32 v3;
	_ =	sdelay $0x8  }
0x11d: {  	v4 =	vpop (erf)  }
0x11e: {  	v4 =	vmul.f32 v4, v2;
	_ =	sdelay $0x1  }
0x11f: {  	v3 =	vadd.f32 v4, v3;
	_ =	sdelay $0x1  }
0x120: {  	v3 =	vmul.f32 $5.000000000e-01, v3;
	_ =	sdelay $0x1  }
0x121: {  	(erf) = vrcp.f32 v3;
	_ =	sdelay $0x8  }
0x122: {  	v4 =	vpop (erf)  }
0x123: {  	v4 =	vmul.f32 v4, v2;
	_ =	sdelay $0x1  }
0x124: {  	v3 =	vadd.f32 v4, v3;
	_ =	sdelay $0x1  }
0x125: {  	v3 =	vmul.f32 $5.000000000e-01, v3;
	_ =	sdelay $0x1  }
0x126: {  	(erf) = vrcp.f32 v3;
	_ =	sdelay $0x8  }
0x127: {  	v4 =	vpop (erf)  }
0x128: {  	v4 =	vmul.f32 v4, v2;
	_ =	sdelay $0x1  }
0x129: {  	v3 =	vadd.f32 v4, v3;
	_ =	sdelay $0x1  }
0x12a: {  	v3 =	vmul.f32 $5.000000000e-01, v3;
	_ =	sdelay $0x1  }
0x12b: {  	(erf) = vrcp.f32 v3;
	_ =	sdelay $0x8  }
0x12c: {  	v4 =	vpop (erf)  }
0x12d: {  	v4 =	vmul.f32 v4, v2;
	_ =	sdelay $0x1  }
0x12e: {  	v3 =	vadd.f32 v4, v3;
	_ =	sdelay $0x1  }
0x12f: {  	v3 =	vmul.f32 $5.000000000e-01, v3;
	_ =	sdelay $0x1  }
0x130: {  	(erf) = vrcp.f32 v3;
	_ =	sdelay $0x8  }
0x131: {  	v4 =	vpop (erf)  }
0x132: {  	v4 =	vmul.f32 v4, v2;
	_ =	sdelay $0x1  }
0x133: {  	v3 =	vadd.f32 v4, v3;
	_ =	sdelay $0x1  }
0x134: {  	v3 =	vmul.f32 $5.000000000e-01, v3;
	_ =	sdelay $0x1  }
0x135: {  	(erf) = vrcp.f32 v3;
	_ =	sdelay $0x8  }
0x136: {  	v4 =	vpop (erf)  }
0x137: {  	v4 =	vmul.f32 v4, v2;
	_ =	sdelay $0x1  }
0x138: {  	v3 =	vadd.f32 v4, v3;
	_ =	sdelay $0x1  }
0x139: {  	v3 =	vmul.f32 $5.000000000e-01, v3;
	_ =	sdelay $0x1  }
0x13a: {  	(erf) = vrcp.f32 v3;
	_ =	sdelay $0x8  }
0x13b: {  	v4 =	vpop (erf)  }
0x13c: {  	v4 =	vmul.f32 v4, v2;
	_ =	sdelay $0x1  }
0x13d: {  	v3 =	vadd.f32 v4, v3;
	_ =	sdelay $0x1  }
0x13e: {  	v3 =	vmul.f32 $5.000000000e-01, v3;
	_ =	sdelay $0x1  }
0x13f: {  	(erf) = vrcp.f32 v3;
	_ =	sdelay $0x8  }
0x140: {  	v4 =	vpop (erf)  }
0x141: {  	v4 =	vmul.f32 v4, v2;
	_ =	sdelay $0x1  }
0x142: {  	v3 =	vadd.f32 v4, v3;
	_ =	sdelay $0x1  }
0x143: {  	v3 =	vmul.f32 $5.000000000e-01, v3;
	_ =	sdelay $0x1  }
0x144: {  	(erf) = vrcp.f32 v3;
	_ =	sdelay $0x6  }
.Ltmp5:
0x145: {  	(pc) =	sbr.rel @p0 .LBB2_10-.Ltmp5, $4  }
0x146: {  	_ = 	snop  }
0x147: {  	vm0 =	vgt.f32 v2, $5.000000000e-01;
	v2 =	vpop (erf)  }
0x148: {  	v2 =	vnsel vm0, $0x0, v2  }
0x149: {  	[tilespmem:s4+$0x12300] =	vst v2;
	s4 =	sshra.s32 s25, $0x2;
	s25 =	sadd.s32 $0x40, s25  }
0x14a: {  	v2 =	vld [tilespmem:s4+$0x12300];
	_ =	sdelay $0x4  }
0x14b: {  	v3 =	vmul.f32 $6.250000000e-02, v2;
	_ =	sdelay $0x1  }
0x14c: {  	v3 =	vmax.f32 v3, $1.000000000e+00  }
0x14d: {  	(erf) = vrcp.f32 v3;
	_ =	sdelay $0x8  }
0x14e: {  	v4 =	vpop (erf)  }
0x14f: {  	v4 =	vmul.f32 v4, v2;
	_ =	sdelay $0x1  }
0x150: {  	v3 =	vadd.f32 v4, v3;
	_ =	sdelay $0x1  }
0x151: {  	v3 =	vmul.f32 $5.000000000e-01, v3;
	_ =	sdelay $0x1  }
0x152: {  	(erf) = vrcp.f32 v3;
	_ =	sdelay $0x8  }
0x153: {  	v55 =	vpop (erf)  }
0x154: {  	v4 =	vmul.f32 v55, v2;
	_ =	sdelay $0x1  }
0x155: {  	v3 =	vadd.f32 v4, v3;
	_ =	sdelay $0x1  }
0x156: {  	v3 =	vmul.f32 $5.000000000e-01, v3;
	_ =	sdelay $0x1  }
0x157: {  	(erf) = vrcp.f32 v3;
	_ =	sdelay $0x8  }
0x158: {  	v56 =	vpop (erf)  }
0x159: {  	v4 =	vmul.f32 v56, v2;
	_ =	sdelay $0x1  }
0x15a: {  	v3 =	vadd.f32 v4, v3;
	_ =	sdelay $0x1  }
0x15b: {  	v3 =	vmul.f32 $5.000000000e-01, v3;
	_ =	sdelay $0x1  }
0x15c: {  	(erf) = vrcp.f32 v3;
	_ =	sdelay $0x8  }
0x15d: {  	v57 =	vpop (erf)  }
0x15e: {  	v4 =	vmul.f32 v57, v2;
	_ =	sdelay $0x1  }
0x15f: {  	v3 =	vadd.f32 v4, v3;
	_ =	sdelay $0x1  }
0x160: {  	v3 =	vmul.f32 $5.000000000e-01, v3;
	_ =	sdelay $0x1  }
0x161: {  	(erf) = vrcp.f32 v3;
	_ =	sdelay $0x8  }
0x162: {  	v58 =	vpop (erf)  }
0x163: {  	v4 =	vmul.f32 v58, v2;
	_ =	sdelay $0x1  }
0x164: {  	v3 =	vadd.f32 v4, v3;
	_ =	sdelay $0x1  }
0x165: {  	v3 =	vmul.f32 $5.000000000e-01, v3;
	_ =	sdelay $0x1  }
0x166: {  	(erf) = vrcp.f32 v3;
	_ =	sdelay $0x8  }
0x167: {  	v59 =	vpop (erf)  }
0x168: {  	v4 =	vmul.f32 v59, v2;
	_ =	sdelay $0x1  }
0x169: {  	v3 =	vadd.f32 v4, v3;
	_ =	sdelay $0x1  }
0x16a: {  	v3 =	vmul.f32 $5.000000000e-01, v3;
	_ =	sdelay $0x1  }
0x16b: {  	(erf) = vrcp.f32 v3;
	_ =	sdelay $0x8  }
0x16c: {  	v60 =	vpop (erf)  }
0x16d: {  	v4 =	vmul.f32 v60, v2;
	_ =	sdelay $0x1  }
0x16e: {  	v3 =	vadd.f32 v4, v3;
	_ =	sdelay $0x1  }
0x16f: {  	v3 =	vmul.f32 $5.000000000e-01, v3;
	_ =	sdelay $0x1  }
0x170: {  	(erf) = vrcp.f32 v3;
	_ =	sdelay $0x8  }
0x171: {  	v61 =	vpop (erf)  }
0x172: {  	v4 =	vmul.f32 v61, v2;
	_ =	sdelay $0x1  }
0x173: {  	v3 =	vadd.f32 v4, v3;
	_ =	sdelay $0x1  }
0x174: {  	v3 =	vmul.f32 $5.000000000e-01, v3;
	_ =	sdelay $0x1  }
0x175: {  	(erf) = vrcp.f32 v3;
	_ =	sdelay $0x8  }
0x176: {  	v62 =	vpop (erf)  }
0x177: {  	v4 =	vmul.f32 v62, v2;
	_ =	sdelay $0x1  }
0x178: {  	v3 =	vadd.f32 v4, v3;
	_ =	sdelay $0x1  }
0x179: {  	v3 =	vmul.f32 $5.000000000e-01, v3;
	_ =	sdelay $0x1  }
0x17a: {  	(erf) = vrcp.f32 v3;
	_ =	sdelay $0x8  }
0x17b: {  	v63 =	vpop (erf)  }
0x17c: {  	v4 =	vmul.f32 v63, v2;
	_ =	sdelay $0x1  }
0x17d: {  	v3 =	vadd.f32 v4, v3;
	_ =	sdelay $0x1  }
0x17e: {  	v3 =	vmul.f32 $5.000000000e-01, v3;
	_ =	sdelay $0x1  }
0x17f: {  	(erf) = vrcp.f32 v3;
	_ =	sdelay $0x8  }
0x180: {  	vm0 =	vgt.f32 v2, $5.000000000e-01;
	v2 =	vpop (erf)  }
0x181: {  	v2 =	vnsel vm0, $0x0, v2  }
0x182: {  	[tilespmem:s4+$0x12300] =	vst v2  }
0x183: {  	[bflag:$0x0] =	sbarrier.arrive $0xFFFF  }
0x184: {  	s25 =	rddreg [dreg:$0x5]  }
0x185: {  	[tilespmem:s28], [sflag:$0x3] =	stream.linear.gather [spmem:s25], $0x2800, $0x38;
	[tilespmem:$0x12800] =	vst v63  }
0x186: {  	_ =	swait.ge [sflag:s26], $0x2800  }
0x187: {  	s20 =	smov.u32 s5;
	s7 =	smov.u32 s10;
	[sflag:s26] =	ssyncset.done $0x0  }
0x188: {  	s4 =	smov.u32 s22;
	s25 =	smov.u32 s21;
	[sflag:s26] =	ssyncadd.s32 $0xFFFFD800  }
.LBB2_12:
0x189: {  	v2 =	vld [tilespmem:s4+$0xFFFFFFC0];
	_ =	sdelay $0x7  }
0x18a: {  	v2 =	vld.idx.msk [tilespmem:v2+s28+$0x0], $0xffff;
	_ =	sdelay $0x4  }
0x18b: {  	[tilespmem:s25+$0x0] =	vst v2  }
0x18c: {  	v2 =	vld [tilespmem:s4+$0xFFFFFFD0];
	_ =	sdelay $0x7  }
0x18d: {  	v2 =	vld.idx.msk [tilespmem:v2+s28+$0x0], $0xffff;
	_ =	sdelay $0x4  }
0x18e: {  	[tilespmem:s25+$0x10] =	vst v2  }
0x18f: {  	v2 =	vld [tilespmem:s4+$0xFFFFFFE0];
	_ =	sdelay $0x7  }
0x190: {  	v2 =	vld.idx.msk [tilespmem:v2+s28+$0x0], $0xffff;
	_ =	sdelay $0x4  }
0x191: {  	[tilespmem:s25+$0x20] =	vst v2  }
0x192: {  	v2 =	vld [tilespmem:s4+$0xFFFFFFF0];
	_ =	sdelay $0x7  }
0x193: {  	v2 =	vld.idx.msk [tilespmem:v2+s28+$0x0], $0xffff;
	_ =	sdelay $0x4  }
0x194: {  	[tilespmem:s25+$0x30] =	vst v2  }
0x195: {  	v2 =	vld [tilespmem:s4+$0x0];
	_ =	sdelay $0x7  }
0x196: {  	v2 =	vld.idx.msk [tilespmem:v2+s28+$0x0], $0xffff;
	_ =	sdelay $0x4  }
0x197: {  	[tilespmem:s25+$0x40] =	vst v2  }
0x198: {  	v2 =	vld [tilespmem:s4+$0x10];
	_ =	sdelay $0x7  }
0x199: {  	v2 =	vld.idx.msk [tilespmem:v2+s28+$0x0], $0xffff;
	_ =	sdelay $0x4  }
0x19a: {  	[tilespmem:s25+$0x50] =	vst v2  }
0x19b: {  	v2 =	vld [tilespmem:s4+$0x20];
	_ =	sdelay $0x7  }
0x19c: {  	v2 =	vld.idx.msk [tilespmem:v2+s28+$0x0], $0xffff;
	_ =	sdelay $0x4  }
0x19d: {  	[tilespmem:s25+$0x60] =	vst v2  }
0x19e: {  	v2 =	vld [tilespmem:s4+$0x30];
	_ =	sdelay $0x7  }
0x19f: {  	v2 =	vld.idx.msk [tilespmem:v2+s28+$0x0], $0xffff;
	_ =	sdelay $0x3  }
0x1a0: {  	p0 =	slt.u32 s7, s14  }
0x1a1: {  	s24 =	simm.s32 @!p0 $0x1;
	[tilespmem:s25+$0x70] =	vst v2  }
0x1a2: {  	[spmem:s3] =	stream.indirect.scatter.add.f32 [tilespmem:s25], [sflag:$0x1], $0x1, s20, s23, $0xb8;
	[tilespmem:$0x12800] =	vst v63  }
0x1a3: {  	_ =	swait.ge @!p0 [sflag:s24], $0x80  }
0x1a4: {  	s7 =	sadd.s32 $0x1, s7;
	[sflag:s24] =	ssyncset.done @!p0 $0x0  }
0x1a5: {  	[sflag:s24] =	ssyncadd.s32 @!p0 $0xFFFFFF80;
	p0 =	slt.u32 s7, s8  }
.Ltmp6:
0x1a6: {  	_ = 	snop;
	(pc) =	sbr.rel @p0 .LBB2_12-.Ltmp6, $2  }
0x1a7: {  	_ =	sdelay $0x2  }
0x1a8: {  	s4 =	sadd.s32 $0x80, s4;
	s20 =	sadd.s32 $0x80, s20;
	s25 =	sadd.s32 $0x80, s25  }
0x1a9: {  	_ =	swait.ge [sflag:s0], $0x80  }
0x1aa: {  	[sflag:s0] =	ssyncset.done $0x0  }
0x1ab: {  	[sflag:s0] =	ssyncadd.s32 $0xFFFFFF80  }
0x1ac: {  	_ =	swait.ge [sflag:s0], $0x80  }
0x1ad: {  	[sflag:s0] =	ssyncset.done $0x0  }
0x1ae: {  	[sflag:s0] =	ssyncadd.s32 $0xFFFFFF80  }
0x1af: {  	_ =	swait.ge [sflag:s0], $0x80  }
0x1b0: {  	[sflag:s0] =	ssyncset.done $0x0  }
0x1b1: {  	[sflag:s0] =	ssyncadd.s32 $0xFFFFFF80  }
0x1b2: {  	_ =	swait.ge [sflag:s0], $0x80  }
0x1b3: {  	[sflag:s0] =	ssyncset.done $0x0  }
0x1b4: {  	[sflag:s0] =	ssyncadd.s32 $0xFFFFFF80  }
0x1b5: {  	_ =	swait.ge [sflag:s0], $0x80  }
0x1b6: {  	[sflag:s0] =	ssyncset.done $0x0  }
0x1b7: {  	[sflag:s0] =	ssyncadd.s32 $0xFFFFFF80  }
0x1b8: {  	_ =	swait.ge [sflag:s0], $0x80  }
0x1b9: {  	[sflag:s0] =	ssyncset.done $0x0  }
0x1ba: {  	[sflag:s0] =	ssyncadd.s32 $0xFFFFFF80  }
0x1bb: {  	_ =	swait.ge [sflag:s0], $0x80  }
0x1bc: {  	[sflag:s0] =	ssyncset.done $0x0  }
0x1bd: {  	[sflag:s0] =	ssyncadd.s32 $0xFFFFFF80  }
0x1be: {  	_ =	swait.ge [sflag:s0], $0x80  }
0x1bf: {  	[sflag:s0] =	ssyncset.done $0x0  }
0x1c0: {  	[sflag:s0] =	ssyncadd.s32 $0xFFFFFF80  }
0x1c1: {  	_ =	swait.ge [sflag:s0], $0x80  }
0x1c2: {  	[sflag:s0] =	ssyncset.done $0x0  }
0x1c3: {  	[sflag:s0] =	ssyncadd.s32 $0xFFFFFF80  }
0x1c4: {  	_ =	swait.ge [sflag:s0], $0x80  }
0x1c5: {  	[sflag:s0] =	ssyncset.done $0x0  }
0x1c6: {  	[sflag:s0] =	ssyncadd.s32 $0xFFFFFF80  }
0x1c7: {  	_ =	swait.ge [sflag:s0], $0x80  }
0x1c8: {  	[sflag:s0] =	ssyncset.done $0x0  }
0x1c9: {  	[sflag:s0] =	ssyncadd.s32 $0xFFFFFF80  }
0x1ca: {  	_ =	swait.ge [sflag:s0], $0x80  }
0x1cb: {  	[sflag:s0] =	ssyncset.done $0x0  }
0x1cc: {  	[sflag:s0] =	ssyncadd.s32 $0xFFFFFF80  }
0x1cd: {  	_ =	swait.ge [sflag:s0], $0x80  }
0x1ce: {  	[sflag:s0] =	ssyncset.done $0x0  }
0x1cf: {  	[sflag:s0] =	ssyncadd.s32 $0xFFFFFF80  }
0x1d0: {  	_ =	swait.ge [sflag:s0], $0x80  }
0x1d1: {  	[sflag:s0] =	ssyncset.done $0x0  }
0x1d2: {  	[sflag:s0] =	ssyncadd.s32 $0xFFFFFF80  }
0x1d3: {  	_ =	swait.ge [sflag:s0], $0x80  }
0x1d4: {  	[sflag:s0] =	ssyncset.done $0x0  }
0x1d5: {  	[sflag:s0] =	ssyncadd.s32 $0xFFFFFF80  }
0x1d6: {  	_ =	swait.ge [sflag:s0], $0x80  }
0x1d7: {  	[sflag:s0] =	ssyncset.done $0x0  }
0x1d8: {  	[sflag:s0] =	ssyncadd.s32 $0xFFFFFF80  }
0x1d9: {  	_ =	swait.ge [sflag:s0], $0x80  }
0x1da: {  	[sflag:s0] =	ssyncset.done $0x0  }
0x1db: {  	[sflag:s0] =	ssyncadd.s32 $0xFFFFFF80  }
0x1dc: {  	_ =	swait.ge [sflag:s0], $0x80  }
0x1dd: {  	[sflag:s0] =	ssyncset.done $0x0  }
0x1de: {  	[sflag:s0] =	ssyncadd.s32 $0xFFFFFF80  }
0x1df: {  	_ =	swait.ge [sflag:s0], $0x80  }
0x1e0: {  	[sflag:s0] =	ssyncset.done $0x0  }
0x1e1: {  	[sflag:s0] =	ssyncadd.s32 $0xFFFFFF80  }
0x1e2: {  	_ =	swait.ge [sflag:s0], $0x80  }
0x1e3: {  	[sflag:s0] =	ssyncset.done $0x0  }
0x1e4: {  	[sflag:s0] =	ssyncadd.s32 $0xFFFFFF80  }
0x1e5: {  	_ =	swait.ge [sflag:s0], $0x80  }
0x1e6: {  	[sflag:s0] =	ssyncset.done $0x0  }
0x1e7: {  	[sflag:s0] =	ssyncadd.s32 $0xFFFFFF80  }
0x1e8: {  	_ =	swait.ge [sflag:s0], $0x80  }
0x1e9: {  	[sflag:s0] =	ssyncset.done $0x0  }
0x1ea: {  	[sflag:s0] =	ssyncadd.s32 $0xFFFFFF80  }
0x1eb: {  	_ =	swait.ge [sflag:s0], $0x80  }
0x1ec: {  	[sflag:s0] =	ssyncset.done $0x0  }
0x1ed: {  	[sflag:s0] =	ssyncadd.s32 $0xFFFFFF80  }
0x1ee: {  	_ =	swait.ge [sflag:s0], $0x80  }
0x1ef: {  	[sflag:s0] =	ssyncset.done $0x0  }
0x1f0: {  	[sflag:s0] =	ssyncadd.s32 $0xFFFFFF80  }
0x1f1: {  	[bflag:$0x0] =	sbarrier.arrive $0xFFFF  }
0x1f2: {  	[tilespmem:s29], [sflag:$0x3] =	stream.linear.gather [spmem:s13], $0x280, $0x38;
	[tilespmem:$0x12800] =	vst v63  }
0x1f3: {  	_ =	swait.ge [sflag:s26], $0x280  }
0x1f4: {  	[sflag:s26] =	ssyncset.done $0x0  }
0x1f5: {  	s4 =	simm.s32 $0x0;
	[sflag:s26] =	ssyncadd.s32 $0xFFFFFD80  }
0x1f6: {  	s7 =	simm.s32 $0x40;
	v2 =	vld [tilespmem:s4+$0x12300]  }
.LBB2_14:
0x1f7: {  	p0 =	sne.s32 s7, $0x9C0;
	v3 =	vld [tilespmem:s4+$0x11E00];
	_ =	sdelay $0x2  }
.Ltmp7:
0x1f8: {  	(pc) =	sbr.rel @p0 .LBB2_14-.Ltmp7, $4  }
0x1f9: {  	_ = 	snop  }
0x1fa: {  	v3 =	vmul.f32 v2, v3  }
0x1fb: {  	s20 =	sshra.s32 s7, $0x2  }
0x1fc: {  	s7 =	sadd.s32 $0x40, s7;
	v2 =	vld [tilespmem:s20+$0x12300];
	[tilespmem:s4+$0x11E00] =	vst v3;
	s4 =	smov.u32 s20  }
0x1fd: {  	v3 =	vld [tilespmem:s4+$0x11E00];
	_ =	sdelay $0x4  }
0x1fe: {  	s31 =	sadd.s32 $0x1, s31;
	v2 =	vmul.f32 v2, v3  }
0x1ff: {  	p0 =	sne.s32 s31, s16  }
.Ltmp8:
0x200: {  	s25 =	simm.s32 $0x0;
	[tilespmem:s4+$0x11E00] =	vst v2;
	(pc) =	sbr.rel @p0 .LBB2_1-.Ltmp8, $4  }
0x201: {  	[hbm4b:s17+s25] =	stream.linear.scatter [tilespmem:s29], [sflag:$0x3], $0x280, $0x38;
	[tilespmem:$0x12800] =	vst v63  }
0x202: {  	_ =	swait.ge [sflag:s26], $0x280  }
0x203: {  	[sflag:s26] =	ssyncset.done $0x0  }
0x204: {  	[sflag:s26] =	ssyncadd.s32 $0xFFFFFD80  }
0x205: {  	_ =	sfence.sel $0x180000  }
0x206: {  	[bflag:$0x0] =	sbarrier.arrive $0xFFFF  }
0x207: {  	_ =	strace $0x90000047  }
0x208: {  	s0 =	stileid.u32;
	[bflag:$0x2] =	sbarrier.arrive $0xFFFF  }
0x209: {  	p0 =	sne.s32 s0, $0x0;
	s0 =	rddreg [dreg:$0x6]  }
0x20a: {  	s0 =	sadd.s32 @!p0 $0x100000, s0  }
0x20b: {  	[sflag:s0] =	ssyncadd.tile.s32 @!p0 $0x1;
	_ =	shalt  }
.Lfunc_end2:
_tile_overlayer_lowered:
.L_overlay_start_2:
0x20c: {  	(tag) =	ssettag $0x2  }
0x20d: {  	s0 =	rddreg [dreg:$0x0];
	s2 =	stileid.u32  }
0x20e: {  	s1 =	rddreg [dreg:$0x1];
	p0 =	sne.s32 s2, $0x0  }
0x20f: {  	s3 =	rddreg [dreg:$0x2];
	[bflag:$0x3] =	sbarrier.arrive $0xFFFF;
	s2 =	simm.s32 @!p0 $0x1C03  }
0x210: {  	[timem:s3], [sflag:s2] =	dma.local @!p0 [hbm:s0], s1  }
0x211: {  	s0 =	simm.s32 @!p0 $0x3  }
0x212: {  	_ =	swait.ge @!p0 [sflag:s0], s1  }
0x213: {  	s1 =	ssub.s32 @!p0 $0x0, s1;
	[sflag:s0] =	ssyncset.done @!p0 $0x0  }
0x214: {  	[sflag:s0] =	ssyncadd.s32 @!p0 s1  }
0x215: {  	[bflag:$0x3] =	sbarrier.arrive $0xFFFF  }
0x216: {  	_ =	shalt  }

</sc_bundles>
